<compile_context>
chip_gen: v7x
topology: tpu7x:2x2x1
jax: 0.10.2.dev20260603
libtpu: 0.0.44.dev20260713+nightly
codegen_flags: <defaults>
</compile_context>

<pallas_src>
import functools

import jax
import jax.numpy as jnp
from jax import lax
from jax.experimental import pallas as pl
from jax.experimental.pallas import tpu as pltpu
from jax.experimental.pallas import tpu_sc as plsc

E = 8
H = 768
F = 1024
T = 2048
B = 256
NB = T // B

NC = 2
NS = 16
NW = NC * NS
BPW = T // NW


def _router_body(hs_ref, rw_ref, pos_ref, score_ref, base_ref):
    hs = hs_ref[...]
    logits = jnp.dot(hs, rw_ref[...].T, preferred_element_type=jnp.float32)
    m = jnp.max(logits, axis=1, keepdims=True)
    score_ref[...] = jax.nn.sigmoid(m)
    idx8 = lax.broadcasted_iota(jnp.int32, (T, E), 1)
    eid = jnp.min(jnp.where(logits == m, idx8, E), axis=1, keepdims=True)
    oh = (idx8 == eid).astype(jnp.float32)
    tri = (lax.broadcasted_iota(jnp.int32, (B, B), 0)
           >= lax.broadcasted_iota(jnp.int32, (B, B), 1)).astype(jnp.float32)

    run = jnp.zeros((1, E), jnp.float32)
    ranks = []
    for c in range(NB):
        ohc = oh[c * B:(c + 1) * B, :]
        csum = jnp.dot(tri, ohc, preferred_element_type=jnp.float32,
                       precision=lax.Precision.HIGHEST)
        ranks.append(jnp.sum(ohc * csum, axis=1, keepdims=True) - 1.0
                     + jnp.sum(ohc * run, axis=1, keepdims=True))
        run = run + csum[B - 1:B, :]
    triE = (lax.broadcasted_iota(jnp.int32, (E, E), 0)
            < lax.broadcasted_iota(jnp.int32, (E, E), 1)).astype(jnp.float32)
    base = jnp.dot(run, triE, preferred_element_type=jnp.float32,
                   precision=lax.Precision.HIGHEST)
    base_ref[...] = base.astype(jnp.int32)
    for c in range(NB):
        ohc = oh[c * B:(c + 1) * B, :]
        badd = jnp.sum(ohc * base, axis=1, keepdims=True)
        pos_ref[c * B:(c + 1) * B, :] = (ranks[c] + badd).astype(jnp.int32)


def _router(hs, router_w):
    return pl.pallas_call(
        _router_body,
        out_shape=(
            jax.ShapeDtypeStruct((T, 1), jnp.int32),
            jax.ShapeDtypeStruct((T, 1), jnp.float32),
            jax.ShapeDtypeStruct((1, E), jnp.int32),
        ),
    )(hs, router_w)


def _scatter_small_body(score_hbm, pos_hbm, inv_hbm, ss_hbm,
                        idx_v, iota_v, sv_v, sem_p, sem_s, sem_i2, sem_s2):
    wid = lax.axis_index("s") * NC + lax.axis_index("c")
    base = wid * BPW
    cp_pos = pltpu.async_copy(pos_hbm.at[pl.ds(base, BPW)], idx_v, sem_p)
    cp_s = pltpu.async_copy(score_hbm.at[pl.ds(base, BPW)], sv_v, sem_s)
    for k in range(BPW // 16):
        iota_v[pl.ds(k * 16, 16)] = lax.iota(jnp.int32, 16) + (base + k * 16)
    cp_pos.wait()
    sc_i = pltpu.async_copy(iota_v, inv_hbm.at[idx_v], sem_i2)
    cp_s.wait()
    sc_s = pltpu.async_copy(sv_v, ss_hbm.at[idx_v], sem_s2)
    sc_i.wait()
    sc_s.wait()


def _scatter_small(score, pos):
    mesh = plsc.VectorSubcoreMesh(core_axis_name="c", subcore_axis_name="s",
                                  num_cores=NC, num_subcores=NS)
    return pl.kernel(
        _scatter_small_body,
        out_type=(
            jax.ShapeDtypeStruct((T,), jnp.int32),
            jax.ShapeDtypeStruct((T,), jnp.float32),
        ),
        mesh=mesh,
        scratch_types=[
            pltpu.VMEM((BPW,), jnp.int32),
            pltpu.VMEM((BPW,), jnp.int32),
            pltpu.VMEM((BPW,), jnp.float32),
            pltpu.SemaphoreType.DMA,
            pltpu.SemaphoreType.DMA,
            pltpu.SemaphoreType.DMA,
            pltpu.SemaphoreType.DMA,
        ],
    )(score, pos)


def _gather_rows_body(hs_hbm, inv_hbm, xs_hbm, idx_v, rows_v, sem):
    wid = lax.axis_index("s") * NC + lax.axis_index("c")
    base = wid * BPW
    pltpu.sync_copy(inv_hbm.at[pl.ds(base, BPW)], idx_v)
    pltpu.async_copy(hs_hbm.at[idx_v], rows_v, sem).wait()
    pltpu.sync_copy(rows_v, xs_hbm.at[pl.ds(base, BPW)])


def _gather_rows(hs, inv):
    mesh = plsc.VectorSubcoreMesh(core_axis_name="c", subcore_axis_name="s",
                                  num_cores=NC, num_subcores=NS)
    return pl.kernel(
        _gather_rows_body,
        out_type=jax.ShapeDtypeStruct((T, H), jnp.float32),
        mesh=mesh,
        scratch_types=[
            pltpu.VMEM((BPW,), jnp.int32),
            pltpu.VMEM((BPW, H), jnp.float32),
            pltpu.SemaphoreType.DMA,
        ],
    )(hs, inv)


def _moe_body(off_ref, xs_ref, ss_ref, wgu_ref, wd_ref,
              wg_ref, wu_ref, wdw_ref, out_ref):
    e = pl.program_id(0)
    b = pl.program_id(1)
    r0 = b * B
    start = off_ref[e]
    end = off_ref[e + 1]
    dn = (((1,), (1,)), ((), ()))

    @pl.when(jnp.logical_and(e < E,
                             jnp.logical_and(r0 < end, r0 + B > start)))
    def _routed():
        x = xs_ref[pl.ds(r0, B), :] * ss_ref[pl.ds(r0, B), :]
        gu = jnp.dot(x, wgu_ref[0], preferred_element_type=jnp.float32)
        g = gu[:, :F]
        u = gu[:, F:]
        act = u * (g * jax.nn.sigmoid(g))
        r = jnp.dot(act, wd_ref[0], preferred_element_type=jnp.float32)
        rows = r0 + lax.broadcasted_iota(jnp.int32, (B, 1), 0)
        keep = rows >= start
        out_ref[pl.ds(r0, B), :] = jnp.where(
            keep, r, out_ref[pl.ds(r0, B), :])

    @pl.when(e == E)
    def _shared():
        x = xs_ref[pl.ds(r0, B), :]
        g = lax.dot_general(x, wg_ref[...], dn,
                            preferred_element_type=jnp.float32)
        u = lax.dot_general(x, wu_ref[...], dn,
                            preferred_element_type=jnp.float32)
        act = u * (g * jax.nn.sigmoid(g))
        sh = lax.dot_general(act, wdw_ref[...], dn,
                             preferred_element_type=jnp.float32)
        out_ref[pl.ds(r0, B), :] = out_ref[pl.ds(r0, B), :] + sh


def _moe(off, xs, ss, gate_up_proj, down_proj, gate_w, up_w, down_w):
    return pl.pallas_call(
        _moe_body,
        grid=(E + 1, NB),
        in_specs=[
            pl.BlockSpec(memory_space=pltpu.SMEM),
            pl.BlockSpec((T, H), lambda e, b: (0, 0)),
            pl.BlockSpec((T, 1), lambda e, b: (0, 0)),
            pl.BlockSpec((1, H, 2 * F), lambda e, b: (jnp.minimum(e, E - 1), 0, 0)),
            pl.BlockSpec((1, F, H), lambda e, b: (jnp.minimum(e, E - 1), 0, 0)),
            pl.BlockSpec((F, H), lambda e, b: (0, 0)),
            pl.BlockSpec((F, H), lambda e, b: (0, 0)),
            pl.BlockSpec((H, F), lambda e, b: (0, 0)),
        ],
        out_specs=pl.BlockSpec((T, H), lambda e, b: (0, 0)),
        out_shape=jax.ShapeDtypeStruct((T, H), jnp.float32),
        compiler_params=pltpu.CompilerParams(
            dimension_semantics=("arbitrary", "arbitrary")),
    )(off, xs, ss, gate_up_proj, down_proj, gate_w, up_w, down_w)


def _combine_body(osort_hbm, pos_hbm, out_hbm, idx_v, rows_v, sem):
    wid = lax.axis_index("s") * NC + lax.axis_index("c")
    base = wid * BPW
    pltpu.sync_copy(pos_hbm.at[pl.ds(base, BPW)], idx_v)
    pltpu.async_copy(osort_hbm.at[idx_v], rows_v, sem).wait()
    pltpu.sync_copy(rows_v, out_hbm.at[pl.ds(base, BPW)])


def _combine(osort, pos):
    mesh = plsc.VectorSubcoreMesh(core_axis_name="c", subcore_axis_name="s",
                                  num_cores=NC, num_subcores=NS)
    return pl.kernel(
        _combine_body,
        out_type=jax.ShapeDtypeStruct((T, H), jnp.float32),
        mesh=mesh,
        scratch_types=[
            pltpu.VMEM((BPW,), jnp.int32),
            pltpu.VMEM((BPW, H), jnp.float32),
            pltpu.SemaphoreType.DMA,
        ],
    )(osort, pos)


def kernel(hidden_states, router_w, gate_up_proj, down_proj,
           gate_w, up_w, down_w):
    orig_shape = hidden_states.shape
    hs = hidden_states.reshape(-1, H)
    pos2d, score2d, base2d = _router(hs, router_w)
    pos = pos2d.reshape(T)
    score = score2d.reshape(T)
    off = jnp.concatenate(
        [base2d.reshape(E), jnp.full((E,), T, jnp.int32)])
    inv, s_sorted = _scatter_small(score, pos)
    xs = _gather_rows(hs, inv)
    osort = _moe(off, xs, s_sorted.reshape(T, 1),
                 gate_up_proj, down_proj, gate_w, up_w, down_w)
    out = _combine(osort, pos)
    return out.reshape(orig_shape)

# --- scband reference (transcript-rebuilt; emitter-appended) ---
"""Pipeline reference for scband-llama4-mo-e-25245817766057 (READ-ONLY COPY).

The authoritative reference and input builder live on the scoring server;
editing this copy changes nothing except your own understanding.
"""

import jax, jax.numpy as jnp
import numpy as np

NUM_EXPERTS = 8
TOP_K = 1
HIDDEN = 768
FF = 1024
TOKENS = 2048


def setup_inputs(seed: int = 0) -> dict:
    key = jax.random.key(seed)
    ks = jax.random.split(key, 7)
    return {
        "hidden_states": jax.random.normal(ks[0], (TOKENS, HIDDEN), dtype=jnp.float32),
        "router_w": jax.random.normal(ks[1], (NUM_EXPERTS, HIDDEN), dtype=jnp.float32) * 0.02,
        "gate_up_proj": jax.random.normal(ks[2], (NUM_EXPERTS, HIDDEN, 2 * FF), dtype=jnp.float32) * 0.02,
        "down_proj": jax.random.normal(ks[3], (NUM_EXPERTS, FF, HIDDEN), dtype=jnp.float32) * 0.02,
        "gate_w": jax.random.normal(ks[4], (FF, HIDDEN), dtype=jnp.float32) * 0.02,
        "up_w": jax.random.normal(ks[5], (FF, HIDDEN), dtype=jnp.float32) * 0.02,
        "down_w": jax.random.normal(ks[6], (HIDDEN, FF), dtype=jnp.float32) * 0.02,
    }


def reference(hidden_states, router_w, gate_up_proj, down_proj, gate_w, up_w, down_w):
    orig_shape = hidden_states.shape
    hs = hidden_states.reshape(-1, HIDDEN)
    T = hs.shape[0]
    # Router: sigmoid top-k (scatter top-k logits into -inf canvas, then sigmoid)
    router_logits = hs @ router_w.T  # [T, E]
    top_v, top_i = jax.lax.top_k(router_logits, TOP_K)
    router_scores = jnp.full_like(router_logits, -jnp.inf)
    router_scores = router_scores.at[jnp.arange(T)[:, None], top_i].set(top_v)
    router_scores = jax.nn.sigmoid(router_scores.astype(jnp.float32)).astype(router_logits.dtype)
    # Routed experts: scale replicated tokens by routing score, then bmm over stacked experts
    routed_in = jnp.tile(hs, (NUM_EXPERTS, 1))  # [E*T, H]
    routed_in = routed_in * router_scores.T.reshape(-1, 1)
    x = routed_in.reshape(NUM_EXPERTS, -1, HIDDEN)  # [E, T, H]
    gate_up = jnp.einsum('ebh,ehf->ebf', x, gate_up_proj)  # [E, T, 2F]
    gate = gate_up[..., :FF]
    up = gate_up[..., FF:]
    next_states = jnp.einsum('ebf,efh->ebh', up * jax.nn.silu(gate), down_proj)  # [E, T, H]
    routed_out = next_states.reshape(-1, HIDDEN)
    # Shared expert (dense SwiGLU MLP)
    shared = (jax.nn.silu(hs @ gate_w.T) * (hs @ up_w.T)) @ down_w.T
    out = shared + routed_out.reshape(NUM_EXPERTS, T, HIDDEN).sum(axis=0)
    return out.reshape(orig_shape)

if __name__ == "__main__":
    import jax
    _d = setup_inputs()
    print(jax.jit(kernel)(*tuple(_d.values())))

</pallas_src>

<mosaic_0001>
#map = affine_map<(d0, d1) -> (0, 0)>
#map1 = affine_map<(d0, d1) -> (0)>
module attributes {stable_mosaic.version = 14 : i64} {
  func.func @_gather_rows_body(%arg0: i32, %arg1: i32, %arg2: memref<2048x768xf32, #tpu.memory_space<hbm>>, %arg3: memref<2048xi32, #tpu.memory_space<hbm>>, %arg4: memref<2048x768xf32, #tpu.memory_space<hbm>>, %arg5: memref<64xi32, #tpu.memory_space<vmem>>, %arg6: memref<64x768xf32, #tpu.memory_space<vmem>>, %arg7: memref<!tpu.dma_semaphore, #tpu.memory_space<semaphore_mem>>) attributes {dimension_semantics = [#tpu.dimension_semantics<core_parallel>, #tpu.dimension_semantics<subcore_parallel>], iteration_bounds = array<i64: 2, 16>, scalar_prefetch = 0 : i64, scratch_operands = 3 : i64, tpu.core_type = #tpu.core_type<sc_vector_subcore>, window_params = [{transform_indices = #map}, {transform_indices = #map1}, {transform_indices = #map}]} {
    %mul3A = arith.constant 2 : i32
    %mul3A_0 = arith.muli %arg1, %mul3A : i32
    %add3A = arith.addi %mul3A_0, %arg0 : i32
    %mul3A_1 = arith.constant 64 : i32
    %mul3A_2 = arith.muli %add3A, %mul3A_1 : i32
    "tpu.region"() ({
      %run_scoped3A = tpu.sem_alloc : memref<!tpu.dma_semaphore, #tpu.memory_space<semaphore_mem>>
      %dma_start3A_7 = tpu.memref_slice %arg3[%mul3A_2] : memref<2048xi32, #tpu.memory_space<hbm>> -> memref<64xi32, #tpu.memory_space<hbm>>
      %dma_start3A_8 = tpu.memref_slice %arg3[%mul3A_2] : memref<2048xi32, #tpu.memory_space<hbm>> -> memref<64xi32, #tpu.memory_space<hbm>>
      tpu.enqueue_dma source(%dma_start3A_8 : memref<64xi32, #tpu.memory_space<hbm>>) target(%arg5 : memref<64xi32, #tpu.memory_space<vmem>>) target_semaphore(%run_scoped3A : memref<!tpu.dma_semaphore, #tpu.memory_space<semaphore_mem>>)
      %dma_wait3A_9 = tpu.memref_slice %arg3[%mul3A_2] : memref<2048xi32, #tpu.memory_space<hbm>> -> memref<64xi32, #tpu.memory_space<hbm>>
      %dma_wait3A_10 = tpu.memref_slice %arg3[%mul3A_2] : memref<2048xi32, #tpu.memory_space<hbm>> -> memref<64xi32, #tpu.memory_space<hbm>>
      tpu.wait_dma2 semaphore(%run_scoped3A : memref<!tpu.dma_semaphore, #tpu.memory_space<semaphore_mem>>) src(%dma_wait3A_10 : memref<64xi32, #tpu.memory_space<hbm>>) dst(%arg5 : memref<64xi32, #tpu.memory_space<vmem>>)
      tpu.yield
    }) : () -> ()
    %dma_start3A = arith.constant 0 : i32
    %dma_start3A_3 = arith.constant 0 : i32
    %dma_start3A_4 = tpu.memref_slice %arg2[%dma_start3A, %dma_start3A_3] : memref<2048x768xf32, #tpu.memory_space<hbm>> -> memref<2048x768xf32, #tpu.memory_space<hbm>>
    tpu.enqueue_indirect_dma source(%dma_start3A_4 : memref<2048x768xf32, #tpu.memory_space<hbm>>) target(%arg6 : memref<64x768xf32, #tpu.memory_space<vmem>>) offsets(%arg5 : memref<64xi32, #tpu.memory_space<vmem>>) semaphore(%arg7 : memref<!tpu.dma_semaphore, #tpu.memory_space<semaphore_mem>>)
    %dma_wait3A = arith.constant 0 : i32
    %dma_wait3A_5 = arith.constant 0 : i32
    %dma_wait3A_6 = tpu.memref_slice %arg2[%dma_wait3A, %dma_wait3A_5] : memref<2048x768xf32, #tpu.memory_space<hbm>> -> memref<2048x768xf32, #tpu.memory_space<hbm>>
    tpu.wait_indirect_dma semaphore(%arg7 : memref<!tpu.dma_semaphore, #tpu.memory_space<semaphore_mem>>) src(%dma_wait3A_6 : memref<2048x768xf32, #tpu.memory_space<hbm>>) dst(%arg6 : memref<64x768xf32, #tpu.memory_space<vmem>>)
    "tpu.region"() ({
      %run_scoped3A = tpu.sem_alloc : memref<!tpu.dma_semaphore, #tpu.memory_space<semaphore_mem>>
      %dma_start3A_7 = arith.constant 0 : i32
      %dma_start3A_8 = tpu.memref_slice %arg4[%mul3A_2, %dma_start3A_7] : memref<2048x768xf32, #tpu.memory_space<hbm>> -> memref<64x768xf32, #tpu.memory_space<hbm>>
      %dma_start3A_9 = arith.constant 0 : i32
      %dma_start3A_10 = tpu.memref_slice %arg4[%mul3A_2, %dma_start3A_9] : memref<2048x768xf32, #tpu.memory_space<hbm>> -> memref<64x768xf32, #tpu.memory_space<hbm>>
      tpu.enqueue_dma source(%arg6 : memref<64x768xf32, #tpu.memory_space<vmem>>) target(%dma_start3A_10 : memref<64x768xf32, #tpu.memory_space<hbm>>) target_semaphore(%run_scoped3A : memref<!tpu.dma_semaphore, #tpu.memory_space<semaphore_mem>>)
      %dma_wait3A_11 = arith.constant 0 : i32
      %dma_wait3A_12 = tpu.memref_slice %arg4[%mul3A_2, %dma_wait3A_11] : memref<2048x768xf32, #tpu.memory_space<hbm>> -> memref<64x768xf32, #tpu.memory_space<hbm>>
      %dma_wait3A_13 = arith.constant 0 : i32
      %dma_wait3A_14 = tpu.memref_slice %arg4[%mul3A_2, %dma_wait3A_13] : memref<2048x768xf32, #tpu.memory_space<hbm>> -> memref<64x768xf32, #tpu.memory_space<hbm>>
      tpu.wait_dma2 semaphore(%run_scoped3A : memref<!tpu.dma_semaphore, #tpu.memory_space<semaphore_mem>>) src(%arg6 : memref<64x768xf32, #tpu.memory_space<vmem>>) dst(%dma_wait3A_14 : memref<64x768xf32, #tpu.memory_space<hbm>>)
      tpu.yield
    }) : () -> ()
    return
  }
}

#map = affine_map<(d0, d1) -> (0)>
module attributes {stable_mosaic.version = 14 : i64} {
  func.func @_scatter_small_body(%arg0: i32, %arg1: i32, %arg2: memref<2048xf32, #tpu.memory_space<hbm>>, %arg3: memref<2048xi32, #tpu.memory_space<hbm>>, %arg4: memref<2048xi32, #tpu.memory_space<hbm>>, %arg5: memref<2048xf32, #tpu.memory_space<hbm>>, %arg6: memref<64xi32, #tpu.memory_space<vmem>>, %arg7: memref<64xi32, #tpu.memory_space<vmem>>, %arg8: memref<64xf32, #tpu.memory_space<vmem>>, %arg9: memref<!tpu.dma_semaphore, #tpu.memory_space<semaphore_mem>>, %arg10: memref<!tpu.dma_semaphore, #tpu.memory_space<semaphore_mem>>, %arg11: memref<!tpu.dma_semaphore, #tpu.memory_space<semaphore_mem>>, %arg12: memref<!tpu.dma_semaphore, #tpu.memory_space<semaphore_mem>>) attributes {dimension_semantics = [#tpu.dimension_semantics<core_parallel>, #tpu.dimension_semantics<subcore_parallel>], iteration_bounds = array<i64: 2, 16>, scalar_prefetch = 0 : i64, scratch_operands = 7 : i64, tpu.core_type = #tpu.core_type<sc_vector_subcore>, window_params = [{transform_indices = #map}, {transform_indices = #map}, {transform_indices = #map}, {transform_indices = #map}]} {
    %mul3A = arith.constant 2 : i32
    %mul3A_0 = arith.muli %arg1, %mul3A : i32
    %add3A = arith.addi %mul3A_0, %arg0 : i32
    %mul3A_1 = arith.constant 64 : i32
    %mul3A_2 = arith.muli %add3A, %mul3A_1 : i32
    %dma_start3A = tpu.memref_slice %arg3[%mul3A_2] : memref<2048xi32, #tpu.memory_space<hbm>> -> memref<64xi32, #tpu.memory_space<hbm>>
    %dma_start3A_3 = tpu.memref_slice %arg3[%mul3A_2] : memref<2048xi32, #tpu.memory_space<hbm>> -> memref<64xi32, #tpu.memory_space<hbm>>
    tpu.enqueue_dma source(%dma_start3A_3 : memref<64xi32, #tpu.memory_space<hbm>>) target(%arg6 : memref<64xi32, #tpu.memory_space<vmem>>) target_semaphore(%arg9 : memref<!tpu.dma_semaphore, #tpu.memory_space<semaphore_mem>>)
    %dma_start3A_4 = tpu.memref_slice %arg2[%mul3A_2] : memref<2048xf32, #tpu.memory_space<hbm>> -> memref<64xf32, #tpu.memory_space<hbm>>
    %dma_start3A_5 = tpu.memref_slice %arg2[%mul3A_2] : memref<2048xf32, #tpu.memory_space<hbm>> -> memref<64xf32, #tpu.memory_space<hbm>>
    tpu.enqueue_dma source(%dma_start3A_5 : memref<64xf32, #tpu.memory_space<hbm>>) target(%arg8 : memref<64xf32, #tpu.memory_space<vmem>>) target_semaphore(%arg10 : memref<!tpu.dma_semaphore, #tpu.memory_space<semaphore_mem>>)
    %iota3A = tpu.iota {dimensions = array<i32: 0>} : vector<16xi32>
    %add3A_6 = arith.constant 0 : i32
    %add3A_7 = arith.addi %mul3A_2, %add3A_6 : i32
    %add3A_8 = vector.broadcast %add3A_7 : i32 to vector<16xi32>
    %add3A_9 = arith.addi %iota3A, %add3A_8 : vector<16xi32>
    %swap3A = arith.constant 0 : index
    %swap3A_10 = tpu.vector_load %arg7[%swap3A] {strides = array<i32>} : memref<64xi32, #tpu.memory_space<vmem>>, vector<16xi32>,
    %swap3A_11 = vector.shape_cast %swap3A_10 : vector<16xi32> to vector<16xi32>
    %swap3A_12 = vector.shape_cast %add3A_9 : vector<16xi32> to vector<16xi32>
    tpu.vector_store %arg7[%swap3A], %swap3A_12 {strides = array<i32>} : memref<64xi32, #tpu.memory_space<vmem>>, vector<16xi32>,
    %iota3A_13 = tpu.iota {dimensions = array<i32: 0>} : vector<16xi32>
    %add3A_14 = arith.constant 16 : i32
    %add3A_15 = arith.addi %mul3A_2, %add3A_14 : i32
    %add3A_16 = vector.broadcast %add3A_15 : i32 to vector<16xi32>
    %add3A_17 = arith.addi %iota3A_13, %add3A_16 : vector<16xi32>
    %swap3A_18 = arith.constant 16 : index
    %swap3A_19 = tpu.vector_load %arg7[%swap3A_18] {strides = array<i32>} : memref<64xi32, #tpu.memory_space<vmem>>, vector<16xi32>,
    %swap3A_20 = vector.shape_cast %swap3A_19 : vector<16xi32> to vector<16xi32>
    %swap3A_21 = vector.shape_cast %add3A_17 : vector<16xi32> to vector<16xi32>
    tpu.vector_store %arg7[%swap3A_18], %swap3A_21 {strides = array<i32>} : memref<64xi32, #tpu.memory_space<vmem>>, vector<16xi32>,
    %iota3A_22 = tpu.iota {dimensions = array<i32: 0>} : vector<16xi32>
    %add3A_23 = arith.constant 32 : i32
    %add3A_24 = arith.addi %mul3A_2, %add3A_23 : i32
    %add3A_25 = vector.broadcast %add3A_24 : i32 to vector<16xi32>
    %add3A_26 = arith.addi %iota3A_22, %add3A_25 : vector<16xi32>
    %swap3A_27 = arith.constant 32 : index
    %swap3A_28 = tpu.vector_load %arg7[%swap3A_27] {strides = array<i32>} : memref<64xi32, #tpu.memory_space<vmem>>, vector<16xi32>,
    %swap3A_29 = vector.shape_cast %swap3A_28 : vector<16xi32> to vector<16xi32>
    %swap3A_30 = vector.shape_cast %add3A_26 : vector<16xi32> to vector<16xi32>
    tpu.vector_store %arg7[%swap3A_27], %swap3A_30 {strides = array<i32>} : memref<64xi32, #tpu.memory_space<vmem>>, vector<16xi32>,
    %iota3A_31 = tpu.iota {dimensions = array<i32: 0>} : vector<16xi32>
    %add3A_32 = arith.constant 48 : i32
    %add3A_33 = arith.addi %mul3A_2, %add3A_32 : i32
    %add3A_34 = vector.broadcast %add3A_33 : i32 to vector<16xi32>
    %add3A_35 = arith.addi %iota3A_31, %add3A_34 : vector<16xi32>
    %swap3A_36 = arith.constant 48 : index
    %swap3A_37 = tpu.vector_load %arg7[%swap3A_36] {strides = array<i32>} : memref<64xi32, #tpu.memory_space<vmem>>, vector<16xi32>,
    %swap3A_38 = vector.shape_cast %swap3A_37 : vector<16xi32> to vector<16xi32>
    %swap3A_39 = vector.shape_cast %add3A_35 : vector<16xi32> to vector<16xi32>
    tpu.vector_store %arg7[%swap3A_36], %swap3A_39 {strides = array<i32>} : memref<64xi32, #tpu.memory_space<vmem>>, vector<16xi32>,
    %dma_wait3A = tpu.memref_slice %arg3[%mul3A_2] : memref<2048xi32, #tpu.memory_space<hbm>> -> memref<64xi32, #tpu.memory_space<hbm>>
    %dma_wait3A_40 = tpu.memref_slice %arg3[%mul3A_2] : memref<2048xi32, #tpu.memory_space<hbm>> -> memref<64xi32, #tpu.memory_space<hbm>>
    tpu.wait_dma2 semaphore(%arg9 : memref<!tpu.dma_semaphore, #tpu.memory_space<semaphore_mem>>) src(%dma_wait3A_40 : memref<64xi32, #tpu.memory_space<hbm>>) dst(%arg6 : memref<64xi32, #tpu.memory_space<vmem>>)
    %dma_start3A_41 = arith.constant 0 : i32
    %dma_start3A_42 = tpu.memref_slice %arg4[%dma_start3A_41] : memref<2048xi32, #tpu.memory_space<hbm>> -> memref<2048xi32, #tpu.memory_space<hbm>>
    tpu.enqueue_indirect_dma source(%arg7 : memref<64xi32, #tpu.memory_space<vmem>>) target(%dma_start3A_42 : memref<2048xi32, #tpu.memory_space<hbm>>) offsets(%arg6 : memref<64xi32, #tpu.memory_space<vmem>>) semaphore(%arg11 : memref<!tpu.dma_semaphore, #tpu.memory_space<semaphore_mem>>)
    %dma_wait3A_43 = tpu.memref_slice %arg2[%mul3A_2] : memref<2048xf32, #tpu.memory_space<hbm>> -> memref<64xf32, #tpu.memory_space<hbm>>
    %dma_wait3A_44 = tpu.memref_slice %arg2[%mul3A_2] : memref<2048xf32, #tpu.memory_space<hbm>> -> memref<64xf32, #tpu.memory_space<hbm>>
    tpu.wait_dma2 semaphore(%arg10 : memref<!tpu.dma_semaphore, #tpu.memory_space<semaphore_mem>>) src(%dma_wait3A_44 : memref<64xf32, #tpu.memory_space<hbm>>) dst(%arg8 : memref<64xf32, #tpu.memory_space<vmem>>)
    %dma_start3A_45 = arith.constant 0 : i32
    %dma_start3A_46 = tpu.memref_slice %arg5[%dma_start3A_45] : memref<2048xf32, #tpu.memory_space<hbm>> -> memref<2048xf32, #tpu.memory_space<hbm>>
    tpu.enqueue_indirect_dma source(%arg8 : memref<64xf32, #tpu.memory_space<vmem>>) target(%dma_start3A_46 : memref<2048xf32, #tpu.memory_space<hbm>>) offsets(%arg6 : memref<64xi32, #tpu.memory_space<vmem>>) semaphore(%arg12 : memref<!tpu.dma_semaphore, #tpu.memory_space<semaphore_mem>>)
    %dma_wait3A_47 = arith.constant 0 : i32
    %dma_wait3A_48 = tpu.memref_slice %arg4[%dma_wait3A_47] : memref<2048xi32, #tpu.memory_space<hbm>> -> memref<2048xi32, #tpu.memory_space<hbm>>
    tpu.wait_indirect_dma semaphore(%arg11 : memref<!tpu.dma_semaphore, #tpu.memory_space<semaphore_mem>>) src(%arg7 : memref<64xi32, #tpu.memory_space<vmem>>) dst(%dma_wait3A_48 : memref<2048xi32, #tpu.memory_space<hbm>>)
    %dma_wait3A_49 = arith.constant 0 : i32
    %dma_wait3A_50 = tpu.memref_slice %arg5[%dma_wait3A_49] : memref<2048xf32, #tpu.memory_space<hbm>> -> memref<2048xf32, #tpu.memory_space<hbm>>
    tpu.wait_indirect_dma semaphore(%arg12 : memref<!tpu.dma_semaphore, #tpu.memory_space<semaphore_mem>>) src(%arg8 : memref<64xf32, #tpu.memory_space<vmem>>) dst(%dma_wait3A_50 : memref<2048xf32, #tpu.memory_space<hbm>>)
    return
  }
}

#map = affine_map<(d0, d1) -> (0, 0)>
#map1 = affine_map<(d0, d1) -> (0)>
module attributes {stable_mosaic.version = 14 : i64} {
  func.func @_combine_body(%arg0: i32, %arg1: i32, %arg2: memref<2048x768xf32, #tpu.memory_space<hbm>>, %arg3: memref<2048xi32, #tpu.memory_space<hbm>>, %arg4: memref<2048x768xf32, #tpu.memory_space<hbm>>, %arg5: memref<64xi32, #tpu.memory_space<vmem>>, %arg6: memref<64x768xf32, #tpu.memory_space<vmem>>, %arg7: memref<!tpu.dma_semaphore, #tpu.memory_space<semaphore_mem>>) attributes {dimension_semantics = [#tpu.dimension_semantics<core_parallel>, #tpu.dimension_semantics<subcore_parallel>], iteration_bounds = array<i64: 2, 16>, scalar_prefetch = 0 : i64, scratch_operands = 3 : i64, tpu.core_type = #tpu.core_type<sc_vector_subcore>, window_params = [{transform_indices = #map}, {transform_indices = #map1}, {transform_indices = #map}]} {
    %mul3A = arith.constant 2 : i32
    %mul3A_0 = arith.muli %arg1, %mul3A : i32
    %add3A = arith.addi %mul3A_0, %arg0 : i32
    %mul3A_1 = arith.constant 64 : i32
    %mul3A_2 = arith.muli %add3A, %mul3A_1 : i32
    "tpu.region"() ({
      %run_scoped3A = tpu.sem_alloc : memref<!tpu.dma_semaphore, #tpu.memory_space<semaphore_mem>>
      %dma_start3A_7 = tpu.memref_slice %arg3[%mul3A_2] : memref<2048xi32, #tpu.memory_space<hbm>> -> memref<64xi32, #tpu.memory_space<hbm>>
      %dma_start3A_8 = tpu.memref_slice %arg3[%mul3A_2] : memref<2048xi32, #tpu.memory_space<hbm>> -> memref<64xi32, #tpu.memory_space<hbm>>
      tpu.enqueue_dma source(%dma_start3A_8 : memref<64xi32, #tpu.memory_space<hbm>>) target(%arg5 : memref<64xi32, #tpu.memory_space<vmem>>) target_semaphore(%run_scoped3A : memref<!tpu.dma_semaphore, #tpu.memory_space<semaphore_mem>>)
      %dma_wait3A_9 = tpu.memref_slice %arg3[%mul3A_2] : memref<2048xi32, #tpu.memory_space<hbm>> -> memref<64xi32, #tpu.memory_space<hbm>>
      %dma_wait3A_10 = tpu.memref_slice %arg3[%mul3A_2] : memref<2048xi32, #tpu.memory_space<hbm>> -> memref<64xi32, #tpu.memory_space<hbm>>
      tpu.wait_dma2 semaphore(%run_scoped3A : memref<!tpu.dma_semaphore, #tpu.memory_space<semaphore_mem>>) src(%dma_wait3A_10 : memref<64xi32, #tpu.memory_space<hbm>>) dst(%arg5 : memref<64xi32, #tpu.memory_space<vmem>>)
      tpu.yield
    }) : () -> ()
    %dma_start3A = arith.constant 0 : i32
    %dma_start3A_3 = arith.constant 0 : i32
    %dma_start3A_4 = tpu.memref_slice %arg2[%dma_start3A, %dma_start3A_3] : memref<2048x768xf32, #tpu.memory_space<hbm>> -> memref<2048x768xf32, #tpu.memory_space<hbm>>
    tpu.enqueue_indirect_dma source(%dma_start3A_4 : memref<2048x768xf32, #tpu.memory_space<hbm>>) target(%arg6 : memref<64x768xf32, #tpu.memory_space<vmem>>) offsets(%arg5 : memref<64xi32, #tpu.memory_space<vmem>>) semaphore(%arg7 : memref<!tpu.dma_semaphore, #tpu.memory_space<semaphore_mem>>)
    %dma_wait3A = arith.constant 0 : i32
    %dma_wait3A_5 = arith.constant 0 : i32
    %dma_wait3A_6 = tpu.memref_slice %arg2[%dma_wait3A, %dma_wait3A_5] : memref<2048x768xf32, #tpu.memory_space<hbm>> -> memref<2048x768xf32, #tpu.memory_space<hbm>>
    tpu.wait_indirect_dma semaphore(%arg7 : memref<!tpu.dma_semaphore, #tpu.memory_space<semaphore_mem>>) src(%dma_wait3A_6 : memref<2048x768xf32, #tpu.memory_space<hbm>>) dst(%arg6 : memref<64x768xf32, #tpu.memory_space<vmem>>)
    "tpu.region"() ({
      %run_scoped3A = tpu.sem_alloc : memref<!tpu.dma_semaphore, #tpu.memory_space<semaphore_mem>>
      %dma_start3A_7 = arith.constant 0 : i32
      %dma_start3A_8 = tpu.memref_slice %arg4[%mul3A_2, %dma_start3A_7] : memref<2048x768xf32, #tpu.memory_space<hbm>> -> memref<64x768xf32, #tpu.memory_space<hbm>>
      %dma_start3A_9 = arith.constant 0 : i32
      %dma_start3A_10 = tpu.memref_slice %arg4[%mul3A_2, %dma_start3A_9] : memref<2048x768xf32, #tpu.memory_space<hbm>> -> memref<64x768xf32, #tpu.memory_space<hbm>>
      tpu.enqueue_dma source(%arg6 : memref<64x768xf32, #tpu.memory_space<vmem>>) target(%dma_start3A_10 : memref<64x768xf32, #tpu.memory_space<hbm>>) target_semaphore(%run_scoped3A : memref<!tpu.dma_semaphore, #tpu.memory_space<semaphore_mem>>)
      %dma_wait3A_11 = arith.constant 0 : i32
      %dma_wait3A_12 = tpu.memref_slice %arg4[%mul3A_2, %dma_wait3A_11] : memref<2048x768xf32, #tpu.memory_space<hbm>> -> memref<64x768xf32, #tpu.memory_space<hbm>>
      %dma_wait3A_13 = arith.constant 0 : i32
      %dma_wait3A_14 = tpu.memref_slice %arg4[%mul3A_2, %dma_wait3A_13] : memref<2048x768xf32, #tpu.memory_space<hbm>> -> memref<64x768xf32, #tpu.memory_space<hbm>>
      tpu.wait_dma2 semaphore(%run_scoped3A : memref<!tpu.dma_semaphore, #tpu.memory_space<semaphore_mem>>) src(%arg6 : memref<64x768xf32, #tpu.memory_space<vmem>>) dst(%dma_wait3A_14 : memref<64x768xf32, #tpu.memory_space<hbm>>)
      tpu.yield
    }) : () -> ()
    return
  }
}

module attributes {stable_mosaic.version = 14 : i64} {
  func.func @_router_body(%arg0: memref<2048x768xf32, #tpu.memory_space<vmem>>, %arg1: memref<8x768xf32, #tpu.memory_space<vmem>>, %arg2: memref<2048x1xi32, #tpu.memory_space<vmem>>, %arg3: memref<2048x1xf32, #tpu.memory_space<vmem>>, %arg4: memref<1x8xi32, #tpu.memory_space<vmem>>) attributes {dimension_semantics = [], scalar_prefetch = 0 : i64, scratch_operands = 0 : i64, tpu.core_type = #tpu.core_type<tc>} {
    %get3A = arith.constant 0 : index
    %get3A_0 = arith.constant 0 : index
    %get3A_1 = vector.load %arg0[%get3A, %get3A_0] : memref<2048x768xf32, #tpu.memory_space<vmem>>, vector<2048x768xf32>
    %get3A_2 = arith.constant 0 : index
    %get3A_3 = arith.constant 0 : index
    %get3A_4 = vector.load %arg1[%get3A_2, %get3A_3] : memref<8x768xf32, #tpu.memory_space<vmem>>, vector<8x768xf32>
    %transpose3A = tpu.transpose %get3A_4, [1, 0] : vector<8x768xf32> -> vector<768x8xf32>
    %dot_general3A = arith.constant dense<0.000000e+00> : vector<2048x8xf32>
    %dot_general3A_5 = tpu.matmul %get3A_1, %transpose3A, %dot_general3A {dimension_numbers = #tpu.dot_dimension_numbers<[1], [0], [0], [1], [0, 0, 1, 1], [], []>, transpose_lhs_hint = false} : vector<2048x768xf32>, vector<768x8xf32>, vector<2048x8xf32> -> vector<2048x8xf32>
    %reduce_max3A = arith.constant dense<0xFF800000> : vector<2048xf32>
    %reduce_max3A_6 = vector.multi_reduction <maximumf>, %dot_general3A_5, %reduce_max3A [1] : vector<2048x8xf32> to vector<2048xf32>
    %broadcast_in_dim3A = vector.shape_cast %reduce_max3A_6 : vector<2048xf32> to vector<2048x1xf32>
    %logistic3A = arith.negf %broadcast_in_dim3A : vector<2048x1xf32>
    %logistic3A_7 = math.exp %logistic3A : vector<2048x1xf32>
    %logistic3A_8 = arith.constant 1.000000e+00 : f32
    %logistic3A_9 = vector.broadcast %logistic3A_8 : f32 to vector<2048x1xf32>
    %logistic3A_10 = arith.addf %logistic3A_9, %logistic3A_7 : vector<2048x1xf32>
    %logistic3A_11 = arith.divf %logistic3A_9, %logistic3A_10 : vector<2048x1xf32>
    %swap3A = arith.constant 0 : index
    %swap3A_12 = arith.constant 0 : index
    %swap3A_13 = vector.load %arg3[%swap3A, %swap3A_12] : memref<2048x1xf32, #tpu.memory_space<vmem>>, vector<2048x1xf32>
    tpu.vector_store %arg3[%swap3A, %swap3A_12], %logistic3A_11 {strides = array<i32>} : memref<2048x1xf32, #tpu.memory_space<vmem>>, vector<2048x1xf32>,
    %iota3A = tpu.iota {dimensions = array<i32: 1>} : vector<2048x8xi32>
    %eq3A = vector.broadcast %broadcast_in_dim3A : vector<2048x1xf32> to vector<2048x8xf32>
    %eq3A_14 = arith.cmpf oeq, %dot_general3A_5, %eq3A : vector<2048x8xf32>
    %jit3A = arith.constant 8 : i32
    %broadcast_in_dim3A_15 = vector.broadcast %jit3A : i32 to vector<2048x8xi32>
    %select_n3A = arith.select %eq3A_14, %iota3A, %broadcast_in_dim3A_15 : vector<2048x8xi1>, vector<2048x8xi32>
    %reduce_min3A = arith.constant dense<2147483647> : vector<2048xi32>
    %reduce_min3A_16 = vector.multi_reduction <minsi>, %select_n3A, %reduce_min3A [1] : vector<2048x8xi32> to vector<2048xi32>
    %broadcast_in_dim3A_17 = vector.shape_cast %reduce_min3A_16 : vector<2048xi32> to vector<2048x1xi32>
    %eq3A_18 = vector.broadcast %broadcast_in_dim3A_17 : vector<2048x1xi32> to vector<2048x8xi32>
    %eq3A_19 = arith.cmpi eq, %iota3A, %eq3A_18 : vector<2048x8xi32>
    %convert_element_type3A = arith.extui %eq3A_19 : vector<2048x8xi1> to vector<2048x8xi32>
    %convert_element_type3A_20 = arith.sitofp %convert_element_type3A : vector<2048x8xi32> to vector<2048x8xf32>
    %iota3A_21 = tpu.iota {dimensions = array<i32: 0>} : vector<256x256xi32>
    %iota3A_22 = tpu.iota {dimensions = array<i32: 1>} : vector<256x256xi32>
    %ge3A = arith.cmpi sge, %iota3A_21, %iota3A_22 : vector<256x256xi32>
    %convert_element_type3A_23 = arith.extui %ge3A : vector<256x256xi1> to vector<256x256xi32>
    %convert_element_type3A_24 = arith.sitofp %convert_element_type3A_23 : vector<256x256xi32> to vector<256x256xf32>
    %broadcast_in_dim3A_25 = arith.constant 0.000000e+00 : f32
    %broadcast_in_dim3A_26 = vector.broadcast %broadcast_in_dim3A_25 : f32 to vector<1x8xf32>
    %slice3A = vector.extract_strided_slice %convert_element_type3A_20 {offsets = [0, 0], sizes = [256, 8], strides = [1, 1]} : vector<2048x8xf32> to vector<256x8xf32>
    %dot_general3A_27 = arith.constant dense<0.000000e+00> : vector<256x8xf32>
    %dot_general3A_28 = tpu.matmul %convert_element_type3A_24, %slice3A, %dot_general3A_27 {dimension_numbers = #tpu.dot_dimension_numbers<[1], [0], [0], [1], [0, 0, 1, 1], [], []>, precision = #tpu.contract_precision<fp32>, transpose_lhs_hint = false} : vector<256x256xf32>, vector<256x8xf32>, vector<256x8xf32> -> vector<256x8xf32>
    %mul3A = arith.mulf %slice3A, %dot_general3A_28 : vector<256x8xf32>
    %reduce_sum3A = arith.constant dense<0.000000e+00> : vector<256xf32>
    %reduce_sum3A_29 = vector.multi_reduction <add>, %mul3A, %reduce_sum3A [1] : vector<256x8xf32> to vector<256xf32>
    %broadcast_in_dim3A_30 = vector.shape_cast %reduce_sum3A_29 : vector<256xf32> to vector<256x1xf32>
    %sub3A = arith.constant 1.000000e+00 : f32
    %sub3A_31 = vector.broadcast %sub3A : f32 to vector<256x1xf32>
    %sub3A_32 = arith.subf %broadcast_in_dim3A_30, %sub3A_31 : vector<256x1xf32>
    %mul3A_33 = vector.broadcast %broadcast_in_dim3A_26 : vector<1x8xf32> to vector<256x8xf32>
    %mul3A_34 = arith.mulf %slice3A, %mul3A_33 : vector<256x8xf32>
    %reduce_sum3A_35 = arith.constant dense<0.000000e+00> : vector<256xf32>
    %reduce_sum3A_36 = vector.multi_reduction <add>, %mul3A_34, %reduce_sum3A_35 [1] : vector<256x8xf32> to vector<256xf32>
    %broadcast_in_dim3A_37 = vector.shape_cast %reduce_sum3A_36 : vector<256xf32> to vector<256x1xf32>
    %add3A = arith.addf %sub3A_32, %broadcast_in_dim3A_37 : vector<256x1xf32>
    %slice3A_38 = vector.extract_strided_slice %dot_general3A_28 {offsets = [255, 0], sizes = [1, 8], strides = [1, 1]} : vector<256x8xf32> to vector<1x8xf32>
    %add3A_39 = arith.addf %broadcast_in_dim3A_26, %slice3A_38 : vector<1x8xf32>
    %slice3A_40 = vector.extract_strided_slice %convert_element_type3A_20 {offsets = [256, 0], sizes = [256, 8], strides = [1, 1]} : vector<2048x8xf32> to vector<256x8xf32>
    %dot_general3A_41 = arith.constant dense<0.000000e+00> : vector<256x8xf32>
    %dot_general3A_42 = tpu.matmul %convert_element_type3A_24, %slice3A_40, %dot_general3A_41 {dimension_numbers = #tpu.dot_dimension_numbers<[1], [0], [0], [1], [0, 0, 1, 1], [], []>, precision = #tpu.contract_precision<fp32>, transpose_lhs_hint = false} : vector<256x256xf32>, vector<256x8xf32>, vector<256x8xf32> -> vector<256x8xf32>
    %mul3A_43 = arith.mulf %slice3A_40, %dot_general3A_42 : vector<256x8xf32>
    %reduce_sum3A_44 = arith.constant dense<0.000000e+00> : vector<256xf32>
    %reduce_sum3A_45 = vector.multi_reduction <add>, %mul3A_43, %reduce_sum3A_44 [1] : vector<256x8xf32> to vector<256xf32>
    %broadcast_in_dim3A_46 = vector.shape_cast %reduce_sum3A_45 : vector<256xf32> to vector<256x1xf32>
    %sub3A_47 = arith.constant 1.000000e+00 : f32
    %sub3A_48 = vector.broadcast %sub3A_47 : f32 to vector<256x1xf32>
    %sub3A_49 = arith.subf %broadcast_in_dim3A_46, %sub3A_48 : vector<256x1xf32>
    %mul3A_50 = vector.broadcast %add3A_39 : vector<1x8xf32> to vector<256x8xf32>
    %mul3A_51 = arith.mulf %slice3A_40, %mul3A_50 : vector<256x8xf32>
    %reduce_sum3A_52 = arith.constant dense<0.000000e+00> : vector<256xf32>
    %reduce_sum3A_53 = vector.multi_reduction <add>, %mul3A_51, %reduce_sum3A_52 [1] : vector<256x8xf32> to vector<256xf32>
    %broadcast_in_dim3A_54 = vector.shape_cast %reduce_sum3A_53 : vector<256xf32> to vector<256x1xf32>
    %add3A_55 = arith.addf %sub3A_49, %broadcast_in_dim3A_54 : vector<256x1xf32>
    %slice3A_56 = vector.extract_strided_slice %dot_general3A_42 {offsets = [255, 0], sizes = [1, 8], strides = [1, 1]} : vector<256x8xf32> to vector<1x8xf32>
    %add3A_57 = arith.addf %add3A_39, %slice3A_56 : vector<1x8xf32>
    %slice3A_58 = vector.extract_strided_slice %convert_element_type3A_20 {offsets = [512, 0], sizes = [256, 8], strides = [1, 1]} : vector<2048x8xf32> to vector<256x8xf32>
    %dot_general3A_59 = arith.constant dense<0.000000e+00> : vector<256x8xf32>
    %dot_general3A_60 = tpu.matmul %convert_element_type3A_24, %slice3A_58, %dot_general3A_59 {dimension_numbers = #tpu.dot_dimension_numbers<[1], [0], [0], [1], [0, 0, 1, 1], [], []>, precision = #tpu.contract_precision<fp32>, transpose_lhs_hint = false} : vector<256x256xf32>, vector<256x8xf32>, vector<256x8xf32> -> vector<256x8xf32>
    %mul3A_61 = arith.mulf %slice3A_58, %dot_general3A_60 : vector<256x8xf32>
    %reduce_sum3A_62 = arith.constant dense<0.000000e+00> : vector<256xf32>
    %reduce_sum3A_63 = vector.multi_reduction <add>, %mul3A_61, %reduce_sum3A_62 [1] : vector<256x8xf32> to vector<256xf32>
    %broadcast_in_dim3A_64 = vector.shape_cast %reduce_sum3A_63 : vector<256xf32> to vector<256x1xf32>
    %sub3A_65 = arith.constant 1.000000e+00 : f32
    %sub3A_66 = vector.broadcast %sub3A_65 : f32 to vector<256x1xf32>
    %sub3A_67 = arith.subf %broadcast_in_dim3A_64, %sub3A_66 : vector<256x1xf32>
    %mul3A_68 = vector.broadcast %add3A_57 : vector<1x8xf32> to vector<256x8xf32>
    %mul3A_69 = arith.mulf %slice3A_58, %mul3A_68 : vector<256x8xf32>
    %reduce_sum3A_70 = arith.constant dense<0.000000e+00> : vector<256xf32>
    %reduce_sum3A_71 = vector.multi_reduction <add>, %mul3A_69, %reduce_sum3A_70 [1] : vector<256x8xf32> to vector<256xf32>
    %broadcast_in_dim3A_72 = vector.shape_cast %reduce_sum3A_71 : vector<256xf32> to vector<256x1xf32>
    %add3A_73 = arith.addf %sub3A_67, %broadcast_in_dim3A_72 : vector<256x1xf32>
    %slice3A_74 = vector.extract_strided_slice %dot_general3A_60 {offsets = [255, 0], sizes = [1, 8], strides = [1, 1]} : vector<256x8xf32> to vector<1x8xf32>
    %add3A_75 = arith.addf %add3A_57, %slice3A_74 : vector<1x8xf32>
    %slice3A_76 = vector.extract_strided_slice %convert_element_type3A_20 {offsets = [768, 0], sizes = [256, 8], strides = [1, 1]} : vector<2048x8xf32> to vector<256x8xf32>
    %dot_general3A_77 = arith.constant dense<0.000000e+00> : vector<256x8xf32>
    %dot_general3A_78 = tpu.matmul %convert_element_type3A_24, %slice3A_76, %dot_general3A_77 {dimension_numbers = #tpu.dot_dimension_numbers<[1], [0], [0], [1], [0, 0, 1, 1], [], []>, precision = #tpu.contract_precision<fp32>, transpose_lhs_hint = false} : vector<256x256xf32>, vector<256x8xf32>, vector<256x8xf32> -> vector<256x8xf32>
    %mul3A_79 = arith.mulf %slice3A_76, %dot_general3A_78 : vector<256x8xf32>
    %reduce_sum3A_80 = arith.constant dense<0.000000e+00> : vector<256xf32>
    %reduce_sum3A_81 = vector.multi_reduction <add>, %mul3A_79, %reduce_sum3A_80 [1] : vector<256x8xf32> to vector<256xf32>
    %broadcast_in_dim3A_82 = vector.shape_cast %reduce_sum3A_81 : vector<256xf32> to vector<256x1xf32>
    %sub3A_83 = arith.constant 1.000000e+00 : f32
    %sub3A_84 = vector.broadcast %sub3A_83 : f32 to vector<256x1xf32>
    %sub3A_85 = arith.subf %broadcast_in_dim3A_82, %sub3A_84 : vector<256x1xf32>
    %mul3A_86 = vector.broadcast %add3A_75 : vector<1x8xf32> to vector<256x8xf32>
    %mul3A_87 = arith.mulf %slice3A_76, %mul3A_86 : vector<256x8xf32>
    %reduce_sum3A_88 = arith.constant dense<0.000000e+00> : vector<256xf32>
    %reduce_sum3A_89 = vector.multi_reduction <add>, %mul3A_87, %reduce_sum3A_88 [1] : vector<256x8xf32> to vector<256xf32>
    %broadcast_in_dim3A_90 = vector.shape_cast %reduce_sum3A_89 : vector<256xf32> to vector<256x1xf32>
    %add3A_91 = arith.addf %sub3A_85, %broadcast_in_dim3A_90 : vector<256x1xf32>
    %slice3A_92 = vector.extract_strided_slice %dot_general3A_78 {offsets = [255, 0], sizes = [1, 8], strides = [1, 1]} : vector<256x8xf32> to vector<1x8xf32>
    %add3A_93 = arith.addf %add3A_75, %slice3A_92 : vector<1x8xf32>
    %slice3A_94 = vector.extract_strided_slice %convert_element_type3A_20 {offsets = [1024, 0], sizes = [256, 8], strides = [1, 1]} : vector<2048x8xf32> to vector<256x8xf32>
    %dot_general3A_95 = arith.constant dense<0.000000e+00> : vector<256x8xf32>
    %dot_general3A_96 = tpu.matmul %convert_element_type3A_24, %slice3A_94, %dot_general3A_95 {dimension_numbers = #tpu.dot_dimension_numbers<[1], [0], [0], [1], [0, 0, 1, 1], [], []>, precision = #tpu.contract_precision<fp32>, transpose_lhs_hint = false} : vector<256x256xf32>, vector<256x8xf32>, vector<256x8xf32> -> vector<256x8xf32>
    %mul3A_97 = arith.mulf %slice3A_94, %dot_general3A_96 : vector<256x8xf32>
    %reduce_sum3A_98 = arith.constant dense<0.000000e+00> : vector<256xf32>
    %reduce_sum3A_99 = vector.multi_reduction <add>, %mul3A_97, %reduce_sum3A_98 [1] : vector<256x8xf32> to vector<256xf32>
    %broadcast_in_dim3A_100 = vector.shape_cast %reduce_sum3A_99 : vector<256xf32> to vector<256x1xf32>
    %sub3A_101 = arith.constant 1.000000e+00 : f32
    %sub3A_102 = vector.broadcast %sub3A_101 : f32 to vector<256x1xf32>
    %sub3A_103 = arith.subf %broadcast_in_dim3A_100, %sub3A_102 : vector<256x1xf32>
    %mul3A_104 = vector.broadcast %add3A_93 : vector<1x8xf32> to vector<256x8xf32>
    %mul3A_105 = arith.mulf %slice3A_94, %mul3A_104 : vector<256x8xf32>
    %reduce_sum3A_106 = arith.constant dense<0.000000e+00> : vector<256xf32>
    %reduce_sum3A_107 = vector.multi_reduction <add>, %mul3A_105, %reduce_sum3A_106 [1] : vector<256x8xf32> to vector<256xf32>
    %broadcast_in_dim3A_108 = vector.shape_cast %reduce_sum3A_107 : vector<256xf32> to vector<256x1xf32>
    %add3A_109 = arith.addf %sub3A_103, %broadcast_in_dim3A_108 : vector<256x1xf32>
    %slice3A_110 = vector.extract_strided_slice %dot_general3A_96 {offsets = [255, 0], sizes = [1, 8], strides = [1, 1]} : vector<256x8xf32> to vector<1x8xf32>
    %add3A_111 = arith.addf %add3A_93, %slice3A_110 : vector<1x8xf32>
    %slice3A_112 = vector.extract_strided_slice %convert_element_type3A_20 {offsets = [1280, 0], sizes = [256, 8], strides = [1, 1]} : vector<2048x8xf32> to vector<256x8xf32>
    %dot_general3A_113 = arith.constant dense<0.000000e+00> : vector<256x8xf32>
    %dot_general3A_114 = tpu.matmul %convert_element_type3A_24, %slice3A_112, %dot_general3A_113 {dimension_numbers = #tpu.dot_dimension_numbers<[1], [0], [0], [1], [0, 0, 1, 1], [], []>, precision = #tpu.contract_precision<fp32>, transpose_lhs_hint = false} : vector<256x256xf32>, vector<256x8xf32>, vector<256x8xf32> -> vector<256x8xf32>
    %mul3A_115 = arith.mulf %slice3A_112, %dot_general3A_114 : vector<256x8xf32>
    %reduce_sum3A_116 = arith.constant dense<0.000000e+00> : vector<256xf32>
    %reduce_sum3A_117 = vector.multi_reduction <add>, %mul3A_115, %reduce_sum3A_116 [1] : vector<256x8xf32> to vector<256xf32>
    %broadcast_in_dim3A_118 = vector.shape_cast %reduce_sum3A_117 : vector<256xf32> to vector<256x1xf32>
    %sub3A_119 = arith.constant 1.000000e+00 : f32
    %sub3A_120 = vector.broadcast %sub3A_119 : f32 to vector<256x1xf32>
    %sub3A_121 = arith.subf %broadcast_in_dim3A_118, %sub3A_120 : vector<256x1xf32>
    %mul3A_122 = vector.broadcast %add3A_111 : vector<1x8xf32> to vector<256x8xf32>
    %mul3A_123 = arith.mulf %slice3A_112, %mul3A_122 : vector<256x8xf32>
    %reduce_sum3A_124 = arith.constant dense<0.000000e+00> : vector<256xf32>
    %reduce_sum3A_125 = vector.multi_reduction <add>, %mul3A_123, %reduce_sum3A_124 [1] : vector<256x8xf32> to vector<256xf32>
    %broadcast_in_dim3A_126 = vector.shape_cast %reduce_sum3A_125 : vector<256xf32> to vector<256x1xf32>
    %add3A_127 = arith.addf %sub3A_121, %broadcast_in_dim3A_126 : vector<256x1xf32>
    %slice3A_128 = vector.extract_strided_slice %dot_general3A_114 {offsets = [255, 0], sizes = [1, 8], strides = [1, 1]} : vector<256x8xf32> to vector<1x8xf32>
    %add3A_129 = arith.addf %add3A_111, %slice3A_128 : vector<1x8xf32>
    %slice3A_130 = vector.extract_strided_slice %convert_element_type3A_20 {offsets = [1536, 0], sizes = [256, 8], strides = [1, 1]} : vector<2048x8xf32> to vector<256x8xf32>
    %dot_general3A_131 = arith.constant dense<0.000000e+00> : vector<256x8xf32>
    %dot_general3A_132 = tpu.matmul %convert_element_type3A_24, %slice3A_130, %dot_general3A_131 {dimension_numbers = #tpu.dot_dimension_numbers<[1], [0], [0], [1], [0, 0, 1, 1], [], []>, precision = #tpu.contract_precision<fp32>, transpose_lhs_hint = false} : vector<256x256xf32>, vector<256x8xf32>, vector<256x8xf32> -> vector<256x8xf32>
    %mul3A_133 = arith.mulf %slice3A_130, %dot_general3A_132 : vector<256x8xf32>
    %reduce_sum3A_134 = arith.constant dense<0.000000e+00> : vector<256xf32>
    %reduce_sum3A_135 = vector.multi_reduction <add>, %mul3A_133, %reduce_sum3A_134 [1] : vector<256x8xf32> to vector<256xf32>
    %broadcast_in_dim3A_136 = vector.shape_cast %reduce_sum3A_135 : vector<256xf32> to vector<256x1xf32>
    %sub3A_137 = arith.constant 1.000000e+00 : f32
    %sub3A_138 = vector.broadcast %sub3A_137 : f32 to vector<256x1xf32>
    %sub3A_139 = arith.subf %broadcast_in_dim3A_136, %sub3A_138 : vector<256x1xf32>
    %mul3A_140 = vector.broadcast %add3A_129 : vector<1x8xf32> to vector<256x8xf32>
    %mul3A_141 = arith.mulf %slice3A_130, %mul3A_140 : vector<256x8xf32>
    %reduce_sum3A_142 = arith.constant dense<0.000000e+00> : vector<256xf32>
    %reduce_sum3A_143 = vector.multi_reduction <add>, %mul3A_141, %reduce_sum3A_142 [1] : vector<256x8xf32> to vector<256xf32>
    %broadcast_in_dim3A_144 = vector.shape_cast %reduce_sum3A_143 : vector<256xf32> to vector<256x1xf32>
    %add3A_145 = arith.addf %sub3A_139, %broadcast_in_dim3A_144 : vector<256x1xf32>
    %slice3A_146 = vector.extract_strided_slice %dot_general3A_132 {offsets = [255, 0], sizes = [1, 8], strides = [1, 1]} : vector<256x8xf32> to vector<1x8xf32>
    %add3A_147 = arith.addf %add3A_129, %slice3A_146 : vector<1x8xf32>
    %slice3A_148 = vector.extract_strided_slice %convert_element_type3A_20 {offsets = [1792, 0], sizes = [256, 8], strides = [1, 1]} : vector<2048x8xf32> to vector<256x8xf32>
    %dot_general3A_149 = arith.constant dense<0.000000e+00> : vector<256x8xf32>
    %dot_general3A_150 = tpu.matmul %convert_element_type3A_24, %slice3A_148, %dot_general3A_149 {dimension_numbers = #tpu.dot_dimension_numbers<[1], [0], [0], [1], [0, 0, 1, 1], [], []>, precision = #tpu.contract_precision<fp32>, transpose_lhs_hint = false} : vector<256x256xf32>, vector<256x8xf32>, vector<256x8xf32> -> vector<256x8xf32>
    %mul3A_151 = arith.mulf %slice3A_148, %dot_general3A_150 : vector<256x8xf32>
    %reduce_sum3A_152 = arith.constant dense<0.000000e+00> : vector<256xf32>
    %reduce_sum3A_153 = vector.multi_reduction <add>, %mul3A_151, %reduce_sum3A_152 [1] : vector<256x8xf32> to vector<256xf32>
    %broadcast_in_dim3A_154 = vector.shape_cast %reduce_sum3A_153 : vector<256xf32> to vector<256x1xf32>
    %sub3A_155 = arith.constant 1.000000e+00 : f32
    %sub3A_156 = vector.broadcast %sub3A_155 : f32 to vector<256x1xf32>
    %sub3A_157 = arith.subf %broadcast_in_dim3A_154, %sub3A_156 : vector<256x1xf32>
    %mul3A_158 = vector.broadcast %add3A_147 : vector<1x8xf32> to vector<256x8xf32>
    %mul3A_159 = arith.mulf %slice3A_148, %mul3A_158 : vector<256x8xf32>
    %reduce_sum3A_160 = arith.constant dense<0.000000e+00> : vector<256xf32>
    %reduce_sum3A_161 = vector.multi_reduction <add>, %mul3A_159, %reduce_sum3A_160 [1] : vector<256x8xf32> to vector<256xf32>
    %broadcast_in_dim3A_162 = vector.shape_cast %reduce_sum3A_161 : vector<256xf32> to vector<256x1xf32>
    %add3A_163 = arith.addf %sub3A_157, %broadcast_in_dim3A_162 : vector<256x1xf32>
    %slice3A_164 = vector.extract_strided_slice %dot_general3A_150 {offsets = [255, 0], sizes = [1, 8], strides = [1, 1]} : vector<256x8xf32> to vector<1x8xf32>
    %add3A_165 = arith.addf %add3A_147, %slice3A_164 : vector<1x8xf32>
    %iota3A_166 = tpu.iota {dimensions = array<i32: 0>} : vector<8x8xi32>
    %iota3A_167 = tpu.iota {dimensions = array<i32: 1>} : vector<8x8xi32>
    %lt3A = arith.cmpi slt, %iota3A_166, %iota3A_167 : vector<8x8xi32>
    %convert_element_type3A_168 = arith.extui %lt3A : vector<8x8xi1> to vector<8x8xi32>
    %convert_element_type3A_169 = arith.sitofp %convert_element_type3A_168 : vector<8x8xi32> to vector<8x8xf32>
    %dot_general3A_170 = arith.constant dense<0.000000e+00> : vector<1x8xf32>
    %dot_general3A_171 = tpu.matmul %add3A_165, %convert_element_type3A_169, %dot_general3A_170 {dimension_numbers = #tpu.dot_dimension_numbers<[1], [0], [0], [1], [0, 0, 1, 1], [], []>, precision = #tpu.contract_precision<fp32>, transpose_lhs_hint = false} : vector<1x8xf32>, vector<8x8xf32>, vector<1x8xf32> -> vector<1x8xf32>
    %convert_element_type3A_172 = arith.fptosi %dot_general3A_171 : vector<1x8xf32> to vector<1x8xi32>
    %swap3A_173 = arith.constant 0 : index
    %swap3A_174 = arith.constant 0 : index
    %swap3A_175 = vector.load %arg4[%swap3A_173, %swap3A_174] : memref<1x8xi32, #tpu.memory_space<vmem>>, vector<1x8xi32>
    tpu.vector_store %arg4[%swap3A_173, %swap3A_174], %convert_element_type3A_172 {strides = array<i32>} : memref<1x8xi32, #tpu.memory_space<vmem>>, vector<1x8xi32>,
    %slice3A_176 = vector.extract_strided_slice %convert_element_type3A_20 {offsets = [0, 0], sizes = [256, 8], strides = [1, 1]} : vector<2048x8xf32> to vector<256x8xf32>
    %mul3A_177 = vector.broadcast %dot_general3A_171 : vector<1x8xf32> to vector<256x8xf32>
    %mul3A_178 = arith.mulf %slice3A_176, %mul3A_177 : vector<256x8xf32>
    %reduce_sum3A_179 = arith.constant dense<0.000000e+00> : vector<256xf32>
    %reduce_sum3A_180 = vector.multi_reduction <add>, %mul3A_178, %reduce_sum3A_179 [1] : vector<256x8xf32> to vector<256xf32>
    %broadcast_in_dim3A_181 = vector.shape_cast %reduce_sum3A_180 : vector<256xf32> to vector<256x1xf32>
    %add3A_182 = arith.addf %add3A, %broadcast_in_dim3A_181 : vector<256x1xf32>
    %convert_element_type3A_183 = arith.fptosi %add3A_182 : vector<256x1xf32> to vector<256x1xi32>
    %swap3A_184 = arith.constant 0 : index
    %swap3A_185 = arith.constant 0 : index
    %swap3A_186 = vector.load %arg2[%swap3A_184, %swap3A_185] : memref<2048x1xi32, #tpu.memory_space<vmem>>, vector<256x1xi32>
    tpu.vector_store %arg2[%swap3A_184, %swap3A_185], %convert_element_type3A_183 {strides = array<i32>} : memref<2048x1xi32, #tpu.memory_space<vmem>>, vector<256x1xi32>,
    %slice3A_187 = vector.extract_strided_slice %convert_element_type3A_20 {offsets = [256, 0], sizes = [256, 8], strides = [1, 1]} : vector<2048x8xf32> to vector<256x8xf32>
    %mul3A_188 = vector.broadcast %dot_general3A_171 : vector<1x8xf32> to vector<256x8xf32>
    %mul3A_189 = arith.mulf %slice3A_187, %mul3A_188 : vector<256x8xf32>
    %reduce_sum3A_190 = arith.constant dense<0.000000e+00> : vector<256xf32>
    %reduce_sum3A_191 = vector.multi_reduction <add>, %mul3A_189, %reduce_sum3A_190 [1] : vector<256x8xf32> to vector<256xf32>
    %broadcast_in_dim3A_192 = vector.shape_cast %reduce_sum3A_191 : vector<256xf32> to vector<256x1xf32>
    %add3A_193 = arith.addf %add3A_55, %broadcast_in_dim3A_192 : vector<256x1xf32>
    %convert_element_type3A_194 = arith.fptosi %add3A_193 : vector<256x1xf32> to vector<256x1xi32>
    %swap3A_195 = arith.constant 256 : index
    %swap3A_196 = arith.constant 0 : index
    %swap3A_197 = vector.load %arg2[%swap3A_195, %swap3A_196] : memref<2048x1xi32, #tpu.memory_space<vmem>>, vector<256x1xi32>
    tpu.vector_store %arg2[%swap3A_195, %swap3A_196], %convert_element_type3A_194 {strides = array<i32>} : memref<2048x1xi32, #tpu.memory_space<vmem>>, vector<256x1xi32>,
    %slice3A_198 = vector.extract_strided_slice %convert_element_type3A_20 {offsets = [512, 0], sizes = [256, 8], strides = [1, 1]} : vector<2048x8xf32> to vector<256x8xf32>
    %mul3A_199 = vector.broadcast %dot_general3A_171 : vector<1x8xf32> to vector<256x8xf32>
    %mul3A_200 = arith.mulf %slice3A_198, %mul3A_199 : vector<256x8xf32>
    %reduce_sum3A_201 = arith.constant dense<0.000000e+00> : vector<256xf32>
    %reduce_sum3A_202 = vector.multi_reduction <add>, %mul3A_200, %reduce_sum3A_201 [1] : vector<256x8xf32> to vector<256xf32>
    %broadcast_in_dim3A_203 = vector.shape_cast %reduce_sum3A_202 : vector<256xf32> to vector<256x1xf32>
    %add3A_204 = arith.addf %add3A_73, %broadcast_in_dim3A_203 : vector<256x1xf32>
    %convert_element_type3A_205 = arith.fptosi %add3A_204 : vector<256x1xf32> to vector<256x1xi32>
    %swap3A_206 = arith.constant 512 : index
    %swap3A_207 = arith.constant 0 : index
    %swap3A_208 = vector.load %arg2[%swap3A_206, %swap3A_207] : memref<2048x1xi32, #tpu.memory_space<vmem>>, vector<256x1xi32>
    tpu.vector_store %arg2[%swap3A_206, %swap3A_207], %convert_element_type3A_205 {strides = array<i32>} : memref<2048x1xi32, #tpu.memory_space<vmem>>, vector<256x1xi32>,
    %slice3A_209 = vector.extract_strided_slice %convert_element_type3A_20 {offsets = [768, 0], sizes = [256, 8], strides = [1, 1]} : vector<2048x8xf32> to vector<256x8xf32>
    %mul3A_210 = vector.broadcast %dot_general3A_171 : vector<1x8xf32> to vector<256x8xf32>
    %mul3A_211 = arith.mulf %slice3A_209, %mul3A_210 : vector<256x8xf32>
    %reduce_sum3A_212 = arith.constant dense<0.000000e+00> : vector<256xf32>
    %reduce_sum3A_213 = vector.multi_reduction <add>, %mul3A_211, %reduce_sum3A_212 [1] : vector<256x8xf32> to vector<256xf32>
    %broadcast_in_dim3A_214 = vector.shape_cast %reduce_sum3A_213 : vector<256xf32> to vector<256x1xf32>
    %add3A_215 = arith.addf %add3A_91, %broadcast_in_dim3A_214 : vector<256x1xf32>
    %convert_element_type3A_216 = arith.fptosi %add3A_215 : vector<256x1xf32> to vector<256x1xi32>
    %swap3A_217 = arith.constant 768 : index
    %swap3A_218 = arith.constant 0 : index
    %swap3A_219 = vector.load %arg2[%swap3A_217, %swap3A_218] : memref<2048x1xi32, #tpu.memory_space<vmem>>, vector<256x1xi32>
    tpu.vector_store %arg2[%swap3A_217, %swap3A_218], %convert_element_type3A_216 {strides = array<i32>} : memref<2048x1xi32, #tpu.memory_space<vmem>>, vector<256x1xi32>,
    %slice3A_220 = vector.extract_strided_slice %convert_element_type3A_20 {offsets = [1024, 0], sizes = [256, 8], strides = [1, 1]} : vector<2048x8xf32> to vector<256x8xf32>
    %mul3A_221 = vector.broadcast %dot_general3A_171 : vector<1x8xf32> to vector<256x8xf32>
    %mul3A_222 = arith.mulf %slice3A_220, %mul3A_221 : vector<256x8xf32>
    %reduce_sum3A_223 = arith.constant dense<0.000000e+00> : vector<256xf32>
    %reduce_sum3A_224 = vector.multi_reduction <add>, %mul3A_222, %reduce_sum3A_223 [1] : vector<256x8xf32> to vector<256xf32>
    %broadcast_in_dim3A_225 = vector.shape_cast %reduce_sum3A_224 : vector<256xf32> to vector<256x1xf32>
    %add3A_226 = arith.addf %add3A_109, %broadcast_in_dim3A_225 : vector<256x1xf32>
    %convert_element_type3A_227 = arith.fptosi %add3A_226 : vector<256x1xf32> to vector<256x1xi32>
    %swap3A_228 = arith.constant 1024 : index
    %swap3A_229 = arith.constant 0 : index
    %swap3A_230 = vector.load %arg2[%swap3A_228, %swap3A_229] : memref<2048x1xi32, #tpu.memory_space<vmem>>, vector<256x1xi32>
    tpu.vector_store %arg2[%swap3A_228, %swap3A_229], %convert_element_type3A_227 {strides = array<i32>} : memref<2048x1xi32, #tpu.memory_space<vmem>>, vector<256x1xi32>,
    %slice3A_231 = vector.extract_strided_slice %convert_element_type3A_20 {offsets = [1280, 0], sizes = [256, 8], strides = [1, 1]} : vector<2048x8xf32> to vector<256x8xf32>
    %mul3A_232 = vector.broadcast %dot_general3A_171 : vector<1x8xf32> to vector<256x8xf32>
    %mul3A_233 = arith.mulf %slice3A_231, %mul3A_232 : vector<256x8xf32>
    %reduce_sum3A_234 = arith.constant dense<0.000000e+00> : vector<256xf32>
    %reduce_sum3A_235 = vector.multi_reduction <add>, %mul3A_233, %reduce_sum3A_234 [1] : vector<256x8xf32> to vector<256xf32>
    %broadcast_in_dim3A_236 = vector.shape_cast %reduce_sum3A_235 : vector<256xf32> to vector<256x1xf32>
    %add3A_237 = arith.addf %add3A_127, %broadcast_in_dim3A_236 : vector<256x1xf32>
    %convert_element_type3A_238 = arith.fptosi %add3A_237 : vector<256x1xf32> to vector<256x1xi32>
    %swap3A_239 = arith.constant 1280 : index
    %swap3A_240 = arith.constant 0 : index
    %swap3A_241 = vector.load %arg2[%swap3A_239, %swap3A_240] : memref<2048x1xi32, #tpu.memory_space<vmem>>, vector<256x1xi32>
    tpu.vector_store %arg2[%swap3A_239, %swap3A_240], %convert_element_type3A_238 {strides = array<i32>} : memref<2048x1xi32, #tpu.memory_space<vmem>>, vector<256x1xi32>,
    %slice3A_242 = vector.extract_strided_slice %convert_element_type3A_20 {offsets = [1536, 0], sizes = [256, 8], strides = [1, 1]} : vector<2048x8xf32> to vector<256x8xf32>
    %mul3A_243 = vector.broadcast %dot_general3A_171 : vector<1x8xf32> to vector<256x8xf32>
    %mul3A_244 = arith.mulf %slice3A_242, %mul3A_243 : vector<256x8xf32>
    %reduce_sum3A_245 = arith.constant dense<0.000000e+00> : vector<256xf32>
    %reduce_sum3A_246 = vector.multi_reduction <add>, %mul3A_244, %reduce_sum3A_245 [1] : vector<256x8xf32> to vector<256xf32>
    %broadcast_in_dim3A_247 = vector.shape_cast %reduce_sum3A_246 : vector<256xf32> to vector<256x1xf32>
    %add3A_248 = arith.addf %add3A_145, %broadcast_in_dim3A_247 : vector<256x1xf32>
    %convert_element_type3A_249 = arith.fptosi %add3A_248 : vector<256x1xf32> to vector<256x1xi32>
    %swap3A_250 = arith.constant 1536 : index
    %swap3A_251 = arith.constant 0 : index
    %swap3A_252 = vector.load %arg2[%swap3A_250, %swap3A_251] : memref<2048x1xi32, #tpu.memory_space<vmem>>, vector<256x1xi32>
    tpu.vector_store %arg2[%swap3A_250, %swap3A_251], %convert_element_type3A_249 {strides = array<i32>} : memref<2048x1xi32, #tpu.memory_space<vmem>>, vector<256x1xi32>,
    %slice3A_253 = vector.extract_strided_slice %convert_element_type3A_20 {offsets = [1792, 0], sizes = [256, 8], strides = [1, 1]} : vector<2048x8xf32> to vector<256x8xf32>
    %mul3A_254 = vector.broadcast %dot_general3A_171 : vector<1x8xf32> to vector<256x8xf32>
    %mul3A_255 = arith.mulf %slice3A_253, %mul3A_254 : vector<256x8xf32>
    %reduce_sum3A_256 = arith.constant dense<0.000000e+00> : vector<256xf32>
    %reduce_sum3A_257 = vector.multi_reduction <add>, %mul3A_255, %reduce_sum3A_256 [1] : vector<256x8xf32> to vector<256xf32>
    %broadcast_in_dim3A_258 = vector.shape_cast %reduce_sum3A_257 : vector<256xf32> to vector<256x1xf32>
    %add3A_259 = arith.addf %add3A_163, %broadcast_in_dim3A_258 : vector<256x1xf32>
    %convert_element_type3A_260 = arith.fptosi %add3A_259 : vector<256x1xf32> to vector<256x1xi32>
    %swap3A_261 = arith.constant 1792 : index
    %swap3A_262 = arith.constant 0 : index
    %swap3A_263 = vector.load %arg2[%swap3A_261, %swap3A_262] : memref<2048x1xi32, #tpu.memory_space<vmem>>, vector<256x1xi32>
    tpu.vector_store %arg2[%swap3A_261, %swap3A_262], %convert_element_type3A_260 {strides = array<i32>} : memref<2048x1xi32, #tpu.memory_space<vmem>>, vector<256x1xi32>,
    return
  }
}

module attributes {stable_mosaic.version = 14 : i64} {
  func.func @_moe_body(%arg0: i32, %arg1: i32, %arg2: memref<16xi32, #tpu.memory_space<smem>>, %arg3: memref<2048x768xf32, #tpu.memory_space<vmem>>, %arg4: memref<2048x1xf32, #tpu.memory_space<vmem>>, %arg5: memref<1x768x2048xf32, #tpu.memory_space<vmem>>, %arg6: memref<1x1024x768xf32, #tpu.memory_space<vmem>>, %arg7: memref<1024x768xf32, #tpu.memory_space<vmem>>, %arg8: memref<1024x768xf32, #tpu.memory_space<vmem>>, %arg9: memref<768x1024xf32, #tpu.memory_space<vmem>>, %arg10: memref<2048x768xf32, #tpu.memory_space<vmem>>) attributes {dimension_semantics = [#tpu.dimension_semantics<arbitrary>, #tpu.dimension_semantics<arbitrary>], iteration_bounds = array<i64: 9, 8>, scalar_prefetch = 0 : i64, scratch_operands = 0 : i64, tpu.core_type = #tpu.core_type<tc>, window_params = [{transform_indices = @transform_0, window_bounds = array<i64: 16>}, {pipeline_mode = #tpu.pipeline_mode<synchronous>, transform_indices = @transform_1, window_bounds = array<i64: 2048, 768>}, {pipeline_mode = #tpu.pipeline_mode<synchronous>, transform_indices = @transform_2, window_bounds = array<i64: 2048, 1>}, {transform_indices = @transform_3, window_bounds = array<i64: 1, 768, 2048>}, {transform_indices = @transform_4, window_bounds = array<i64: 1, 1024, 768>}, {pipeline_mode = #tpu.pipeline_mode<synchronous>, transform_indices = @transform_5, window_bounds = array<i64: 1024, 768>}, {pipeline_mode = #tpu.pipeline_mode<synchronous>, transform_indices = @transform_6, window_bounds = array<i64: 1024, 768>}, {pipeline_mode = #tpu.pipeline_mode<synchronous>, transform_indices = @transform_7, window_bounds = array<i64: 768, 1024>}, {pipeline_mode = #tpu.pipeline_mode<synchronous>, transform_indices = @transform_8, window_bounds = array<i64: 2048, 768>}]} {
    %mul3A = arith.constant 256 : i32
    %mul3A_0 = arith.muli %arg1, %mul3A : i32
    %get3A = arith.index_cast %arg0 : i32 to index
    %get3A_1 = memref.load %arg2[%get3A] : memref<16xi32, #tpu.memory_space<smem>>
    %add3A = arith.constant 1 : i32
    %add3A_2 = arith.addi %arg0, %add3A : i32
    %get3A_3 = arith.index_cast %add3A_2 : i32 to index
    %get3A_4 = memref.load %arg2[%get3A_3] : memref<16xi32, #tpu.memory_space<smem>>
    %lt3A = arith.constant 8 : i32
    %lt3A_5 = arith.cmpi slt, %arg0, %lt3A : i32
    %lt3A_6 = arith.cmpi slt, %mul3A_0, %get3A_4 : i32
    %add3A_7 = arith.constant 256 : i32
    %add3A_8 = arith.addi %mul3A_0, %add3A_7 : i32
    %gt3A = arith.cmpi sgt, %add3A_8, %get3A_1 : i32
    %and3A = arith.andi %lt3A_6, %gt3A : i1
    %and3A_9 = arith.andi %lt3A_5, %and3A : i1
    %convert_element_type3A = arith.extui %and3A_9 : i1 to i32
    %cond3A = arith.constant 0 : i32
    %cond3A_10 = arith.cmpi ne, %convert_element_type3A, %cond3A : i32
    scf.if %cond3A_10 {
      %get3A_15 = arith.index_cast %mul3A_0 : i32 to index
      %get3A_16 = arith.constant 0 : index
      %get3A_17 = vector.load %arg3[%get3A_15, %get3A_16] : memref<2048x768xf32, #tpu.memory_space<vmem>>, vector<256x768xf32>
      %get3A_18 = arith.index_cast %mul3A_0 : i32 to index
      %get3A_19 = arith.constant 0 : index
      %get3A_20 = vector.load %arg4[%get3A_18, %get3A_19] : memref<2048x1xf32, #tpu.memory_space<vmem>>, vector<256x1xf32>
      %mul3A_21 = vector.broadcast %get3A_20 : vector<256x1xf32> to vector<256x768xf32>
      %mul3A_22 = arith.mulf %get3A_17, %mul3A_21 : vector<256x768xf32>
      %get3A_23 = arith.constant 0 : index
      %get3A_24 = arith.constant 0 : index
      %get3A_25 = arith.constant 0 : index
      %get3A_26 = vector.load %arg5[%get3A_23, %get3A_24, %get3A_25] : memref<1x768x2048xf32, #tpu.memory_space<vmem>>, vector<1x768x2048xf32>
      %get3A_27 = vector.shape_cast %get3A_26 : vector<1x768x2048xf32> to vector<768x2048xf32>
      %dot_general3A = arith.constant dense<0.000000e+00> : vector<256x2048xf32>
      %dot_general3A_28 = tpu.matmul %mul3A_22, %get3A_27, %dot_general3A {dimension_numbers = #tpu.dot_dimension_numbers<[1], [0], [0], [1], [0, 0, 1, 1], [], []>, transpose_lhs_hint = false} : vector<256x768xf32>, vector<768x2048xf32>, vector<256x2048xf32> -> vector<256x2048xf32>
      %slice3A = vector.extract_strided_slice %dot_general3A_28 {offsets = [0, 0], sizes = [256, 1024], strides = [1, 1]} : vector<256x2048xf32> to vector<256x1024xf32>
      %slice3A_29 = vector.extract_strided_slice %dot_general3A_28 {offsets = [0, 1024], sizes = [256, 1024], strides = [1, 1]} : vector<256x2048xf32> to vector<256x1024xf32>
      %logistic3A = arith.negf %slice3A : vector<256x1024xf32>
      %logistic3A_30 = math.exp %logistic3A : vector<256x1024xf32>
      %logistic3A_31 = arith.constant 1.000000e+00 : f32
      %logistic3A_32 = vector.broadcast %logistic3A_31 : f32 to vector<256x1024xf32>
      %logistic3A_33 = arith.addf %logistic3A_32, %logistic3A_30 : vector<256x1024xf32>
      %logistic3A_34 = arith.divf %logistic3A_32, %logistic3A_33 : vector<256x1024xf32>
      %mul3A_35 = arith.mulf %slice3A, %logistic3A_34 : vector<256x1024xf32>
      %mul3A_36 = arith.mulf %slice3A_29, %mul3A_35 : vector<256x1024xf32>
      %get3A_37 = arith.constant 0 : index
      %get3A_38 = arith.constant 0 : index
      %get3A_39 = arith.constant 0 : index
      %get3A_40 = vector.load %arg6[%get3A_37, %get3A_38, %get3A_39] : memref<1x1024x768xf32, #tpu.memory_space<vmem>>, vector<1x1024x768xf32>
      %get3A_41 = vector.shape_cast %get3A_40 : vector<1x1024x768xf32> to vector<1024x768xf32>
      %dot_general3A_42 = arith.constant dense<0.000000e+00> : vector<256x768xf32>
      %dot_general3A_43 = tpu.matmul %mul3A_36, %get3A_41, %dot_general3A_42 {dimension_numbers = #tpu.dot_dimension_numbers<[1], [0], [0], [1], [0, 0, 1, 1], [], []>, transpose_lhs_hint = false} : vector<256x1024xf32>, vector<1024x768xf32>, vector<256x768xf32> -> vector<256x768xf32>
      %iota3A = tpu.iota {dimensions = array<i32: 0>} : vector<256x1xi32>
      %add3A_44 = vector.broadcast %mul3A_0 : i32 to vector<256x1xi32>
      %add3A_45 = arith.addi %add3A_44, %iota3A : vector<256x1xi32>
      %ge3A = vector.broadcast %get3A_1 : i32 to vector<256x1xi32>
      %ge3A_46 = arith.cmpi sge, %add3A_45, %ge3A : vector<256x1xi32>
      %get3A_47 = arith.index_cast %mul3A_0 : i32 to index
      %get3A_48 = arith.constant 0 : index
      %get3A_49 = vector.load %arg10[%get3A_47, %get3A_48] : memref<2048x768xf32, #tpu.memory_space<vmem>>, vector<256x768xf32>
      %broadcast_in_dim3A = vector.shape_cast %ge3A_46 : vector<256x1xi1> to vector<256x1xi1>
      %broadcast_in_dim3A_50 = vector.broadcast %broadcast_in_dim3A : vector<256x1xi1> to vector<256x768xi1>
      %select_n3A = arith.select %broadcast_in_dim3A_50, %dot_general3A_43, %get3A_49 : vector<256x768xi1>, vector<256x768xf32>
      %swap3A = arith.index_cast %mul3A_0 : i32 to index
      %swap3A_51 = arith.constant 0 : index
      %swap3A_52 = vector.load %arg10[%swap3A, %swap3A_51] : memref<2048x768xf32, #tpu.memory_space<vmem>>, vector<256x768xf32>
      tpu.vector_store %arg10[%swap3A, %swap3A_51], %select_n3A {strides = array<i32>} : memref<2048x768xf32, #tpu.memory_space<vmem>>, vector<256x768xf32>,
    } else {
    }
    %eq3A = arith.constant 8 : i32
    %eq3A_11 = arith.cmpi eq, %arg0, %eq3A : i32
    %convert_element_type3A_12 = arith.extui %eq3A_11 : i1 to i32
    %cond3A_13 = arith.constant 0 : i32
    %cond3A_14 = arith.cmpi ne, %convert_element_type3A_12, %cond3A_13 : i32
    scf.if %cond3A_14 {
      %get3A_15 = arith.index_cast %mul3A_0 : i32 to index
      %get3A_16 = arith.constant 0 : index
      %get3A_17 = vector.load %arg3[%get3A_15, %get3A_16] : memref<2048x768xf32, #tpu.memory_space<vmem>>, vector<256x768xf32>
      %get3A_18 = arith.constant 0 : index
      %get3A_19 = arith.constant 0 : index
      %get3A_20 = vector.load %arg7[%get3A_18, %get3A_19] : memref<1024x768xf32, #tpu.memory_space<vmem>>, vector<1024x768xf32>
      %dot_general3A = arith.constant dense<0.000000e+00> : vector<256x1024xf32>
      %dot_general3A_21 = tpu.matmul %get3A_17, %get3A_20, %dot_general3A {dimension_numbers = #tpu.dot_dimension_numbers<[1], [1], [0], [0], [0, 0, 1, 0], [], []>, transpose_lhs_hint = false} : vector<256x768xf32>, vector<1024x768xf32>, vector<256x1024xf32> -> vector<256x1024xf32>
      %get3A_22 = arith.constant 0 : index
      %get3A_23 = arith.constant 0 : index
      %get3A_24 = vector.load %arg8[%get3A_22, %get3A_23] : memref<1024x768xf32, #tpu.memory_space<vmem>>, vector<1024x768xf32>
      %dot_general3A_25 = arith.constant dense<0.000000e+00> : vector<256x1024xf32>
      %dot_general3A_26 = tpu.matmul %get3A_17, %get3A_24, %dot_general3A_25 {dimension_numbers = #tpu.dot_dimension_numbers<[1], [1], [0], [0], [0, 0, 1, 0], [], []>, transpose_lhs_hint = false} : vector<256x768xf32>, vector<1024x768xf32>, vector<256x1024xf32> -> vector<256x1024xf32>
      %logistic3A = arith.negf %dot_general3A_21 : vector<256x1024xf32>
      %logistic3A_27 = math.exp %logistic3A : vector<256x1024xf32>
      %logistic3A_28 = arith.constant 1.000000e+00 : f32
      %logistic3A_29 = vector.broadcast %logistic3A_28 : f32 to vector<256x1024xf32>
      %logistic3A_30 = arith.addf %logistic3A_29, %logistic3A_27 : vector<256x1024xf32>
      %logistic3A_31 = arith.divf %logistic3A_29, %logistic3A_30 : vector<256x1024xf32>
      %mul3A_32 = arith.mulf %dot_general3A_21, %logistic3A_31 : vector<256x1024xf32>
      %mul3A_33 = arith.mulf %dot_general3A_26, %mul3A_32 : vector<256x1024xf32>
      %get3A_34 = arith.constant 0 : index
      %get3A_35 = arith.constant 0 : index
      %get3A_36 = vector.load %arg9[%get3A_34, %get3A_35] : memref<768x1024xf32, #tpu.memory_space<vmem>>, vector<768x1024xf32>
      %dot_general3A_37 = arith.constant dense<0.000000e+00> : vector<256x768xf32>
      %dot_general3A_38 = tpu.matmul %mul3A_33, %get3A_36, %dot_general3A_37 {dimension_numbers = #tpu.dot_dimension_numbers<[1], [1], [0], [0], [0, 0, 1, 0], [], []>, transpose_lhs_hint = false} : vector<256x1024xf32>, vector<768x1024xf32>, vector<256x768xf32> -> vector<256x768xf32>
      %get3A_39 = arith.index_cast %mul3A_0 : i32 to index
      %get3A_40 = arith.constant 0 : index
      %get3A_41 = vector.load %arg10[%get3A_39, %get3A_40] : memref<2048x768xf32, #tpu.memory_space<vmem>>, vector<256x768xf32>
      %add3A_42 = arith.addf %get3A_41, %dot_general3A_38 : vector<256x768xf32>
      %swap3A = arith.index_cast %mul3A_0 : i32 to index
      %swap3A_43 = arith.constant 0 : index
      %swap3A_44 = vector.load %arg10[%swap3A, %swap3A_43] : memref<2048x768xf32, #tpu.memory_space<vmem>>, vector<256x768xf32>
      tpu.vector_store %arg10[%swap3A, %swap3A_43], %add3A_42 {strides = array<i32>} : memref<2048x768xf32, #tpu.memory_space<vmem>>, vector<256x768xf32>,
    } else {
    }
    return
  }
  func.func @transform_0(%arg0: i32, %arg1: i32) -> i32 {
    %c0_i32 = arith.constant 0 : i32
    %c0_i32_0 = arith.constant 0 : i32
    return %c0_i32 : i32
  }
  func.func @transform_1(%arg0: i32, %arg1: i32) -> (i32, i32) {
    %c0_i32 = arith.constant 0 : i32
    %c0_i32_0 = arith.constant 0 : i32
    %c0_i32_1 = arith.constant 0 : i32
    return %c0_i32, %c0_i32_0 : i32, i32
  }
  func.func @transform_2(%arg0: i32, %arg1: i32) -> (i32, i32) {
    %c0_i32 = arith.constant 0 : i32
    %c0_i32_0 = arith.constant 0 : i32
    %c0_i32_1 = arith.constant 0 : i32
    return %c0_i32, %c0_i32_0 : i32, i32
  }
  func.func @transform_3(%arg0: i32, %arg1: i32) -> (i32, i32, i32) {
    %min3A = arith.constant 7 : i32
    %min3A_0 = arith.minsi %arg0, %min3A : i32
    %c0_i32 = arith.constant 0 : i32
    %c0_i32_1 = arith.constant 0 : i32
    %c0_i32_2 = arith.constant 0 : i32
    return %min3A_0, %c0_i32, %c0_i32_1 : i32, i32, i32
  }
  func.func @transform_4(%arg0: i32, %arg1: i32) -> (i32, i32, i32) {
    %min3A = arith.constant 7 : i32
    %min3A_0 = arith.minsi %arg0, %min3A : i32
    %c0_i32 = arith.constant 0 : i32
    %c0_i32_1 = arith.constant 0 : i32
    %c0_i32_2 = arith.constant 0 : i32
    return %min3A_0, %c0_i32, %c0_i32_1 : i32, i32, i32
  }
  func.func @transform_5(%arg0: i32, %arg1: i32) -> (i32, i32) {
    %c0_i32 = arith.constant 0 : i32
    %c0_i32_0 = arith.constant 0 : i32
    %c0_i32_1 = arith.constant 0 : i32
    return %c0_i32, %c0_i32_0 : i32, i32
  }
  func.func @transform_6(%arg0: i32, %arg1: i32) -> (i32, i32) {
    %c0_i32 = arith.constant 0 : i32
    %c0_i32_0 = arith.constant 0 : i32
    %c0_i32_1 = arith.constant 0 : i32
    return %c0_i32, %c0_i32_0 : i32, i32
  }
  func.func @transform_7(%arg0: i32, %arg1: i32) -> (i32, i32) {
    %c0_i32 = arith.constant 0 : i32
    %c0_i32_0 = arith.constant 0 : i32
    %c0_i32_1 = arith.constant 0 : i32
    return %c0_i32, %c0_i32_0 : i32, i32
  }
  func.func @transform_8(%arg0: i32, %arg1: i32) -> (i32, i32) {
    %c0_i32 = arith.constant 0 : i32
    %c0_i32_0 = arith.constant 0 : i32
    %c0_i32_1 = arith.constant 0 : i32
    return %c0_i32, %c0_i32_0 : i32, i32
  }
}

</mosaic_0001>

<sc_bundles>
// kernel: kernel.10.cloned.1.call-start
scs
__scs_entry_jumppad:
0x0: {  	(pc) =	sbr.rel $0x88, $3  }
0x1: {  	(tag) =	ssettag $0x0;
	lr =	simm.s32 $0x1  }
0x2: {  	[smem:$0x3F9A] =	sst lr;
	_ =	strace $0xD0000000  }
0x3: {  	_ = 	snop  }
0x4: {  	_ = 	snop  }
0x5: {  	_ = 	snop  }
0x6: {  	_ = 	snop  }
0x7: {  	_ = 	snop  }
__scs_overlays_trampoline_lowered:
0x8: {  	[smem:$0x3FA9] =	sst s0  }
0x9: {  	[smem:$0x3FAA] =	sst s1  }
0xa: {  	[smem:$0x3FAB] =	sst s2  }
0xb: {  	[smem:$0x3FAC] =	sst s3  }
0xc: {  	[smem:$0x3FAD] =	sst s4  }
0xd: {  	[smem:$0x3FAE] =	sst s5  }
0xe: {  	[smem:$0x3FAF] =	sst s6  }
0xf: {  	[smem:$0x3FB0] =	sst s7  }
0x10: {  	[smem:$0x3FB1] =	sst s8  }
0x11: {  	[smem:$0x3FB2] =	sst s9;
	s0 =	simm.s32 @!p0 $0x0  }
0x12: {  	s1 =	sld [smem:$0x3F98];
	s0 =	simm.s32 @p0 $0x1  }
0x13: {  	[smem:$0x3FB3] =	sst s0;
	s0 =	simm.s32 @!p1 $0x0  }
0x14: {  	s2 =	sld [smem:$0x3F97];
	s0 =	simm.s32 @p1 $0x1  }
0x15: {  	[smem:$0x3FB4] =	sst s0;
	s0 =	simm.s32 @!p2 $0x0  }
0x16: {  	s3 =	sld [smem:$0x3FDB];
	s0 =	simm.s32 @p2 $0x1  }
0x17: {  	s4 =	simm.s32 $0x1BF5;
	[smem:$0x3FB6] =	sst s0  }
0x18: {  	s0 =	sld [smem:$0x3F99];
	_ =	swait.ge [sflag:s4], $0x0  }
0x19: {  	s7 =	sld [smem:$0x3F9A]  }
0x1a: {  	s8 =	sadd.s32 $0xFFFFE003, lr  }
0x1b: {  	s9 =	sadd.s32 $0xFFFFFEF7, lr;
	s5 =	simm.s32 $0xFFFFFFFF;
	p2 =	slt.u32 s8, $0xFFFFF086  }
0x1c: {  	p1 =	slt.u32 s9, $0xF7A;
	s5 =	simm.s32 @!p2 $0x0  }
0x1d: {  	s5 =	simm.s32 @p1 $0x1;
	p0 =	seq.s32 s7, s2  }
0x1e: {  	s7 =	smul.u32 @!p0 $0xF7A, s2;
	p2 =	seq.s32 @!p0 s5, $0x0  }
0x1f: {  	s9 =	smul.u32 $0xF7A, s1;
	s8 =	simm.s32 @!p0 $0x1BF5;
	p2 =	por !p2, p0  }
0x20: {  	[sflag:s8] =	ssyncset.s32 @!p0 $0xFFFFF086;
	s6 =	sadd.s32 @!p0 s3, s7;
	s7 =	simm.s32 @!p0 $0x108  }
0x21: {  	s3 =	sadd.s32 s3, s9;
	s6 =	sadd.s32 @!p0 $0x88, s6;
	s7 =	simm.s32 @p2 $0x1082  }
0x22: {  	[simem:s7], [sflag:s8] =	dma.local @!p0 [hbm:s6], $0xF7A  }
0x23: {  	s9 =	sor.u32 $0xD0000000, s2;
	s6 =	simm.s32 $0x108;
	_ =	swait.ge @!p0 [sflag:s8], $0x0  }
0x24: {  	s3 =	sadd.s32 $0x88, s3;
	s6 =	simm.s32 @!p1 $0x1082;
	[sflag:s4] =	ssyncset.s32 $0xFFFFF086  }
0x25: {  	[simem:s6], [sflag:s4] =	dma.local [hbm:s3], $0xF7A  }
0x26: {  	[smem:$0x3F9A] =	sst s1;
	(tag) =	ssettag s2;
	_ =	strace s9  }
0x27: {  	s1 =	sld [smem:$0x3FAA]  }
0x28: {  	s2 =	sld [smem:$0x3FAB]  }
0x29: {  	s4 =	sld [smem:$0x3FAD]  }
0x2a: {  	p0 =	seq.s32 s5, $0x0;
	s5 =	sld [smem:$0x3FAE]  }
0x2b: {  	s6 =	sld [smem:$0x3FAF]  }
0x2c: {  	s7 =	sld [smem:$0x3FB0]  }
0x2d: {  	s3 =	simm.s32 $0x108;
	s8 =	sld [smem:$0x3FB1]  }
0x2e: {  	s3 =	simm.s32 @!p0 $0x1082;
	s9 =	sld [smem:$0x3FB2]  }
0x2f: {  	lr =	sadd.s32 s0, s3;
	s0 =	sld [smem:$0x3FA9]  }
0x30: {  	s3 =	sld [smem:$0x3FAC]  }
0x31: {  	[smem:$0x3FB5] =	sst s10  }
0x32: {  	s10 =	sld [smem:$0x3FB3];
	_ =	sdelay $0x3  }
0x33: {  	p0 =	seq.s32 s10, $0x1;
	s10 =	sld [smem:$0x3FB5];
	_ =	sdelay $0x3  }
0x34: {  	[smem:$0x3FB5] =	sst s10  }
0x35: {  	s10 =	sld [smem:$0x3FB4];
	_ =	sdelay $0x3  }
0x36: {  	p1 =	seq.s32 s10, $0x1;
	s10 =	sld [smem:$0x3FB5];
	_ =	sdelay $0x3  }
0x37: {  	[smem:$0x3FB5] =	sst s10  }
0x38: {  	s10 =	sld [smem:$0x3FB6]  }
0x39: {  	_ = 	snop;
	(pc) =	sbr.ind lr, $3  }
0x3a: {  	_ = 	snop  }
0x3b: {  	_ = 	snop  }
0x3c: {  	p2 =	seq.s32 s10, $0x1;
	s10 =	sld [smem:$0x3FB5]  }
0x3d: {  	_ =	shalt  }
0x3e: {  	_ =	shalt  }
0x3f: {  	_ =	shalt  }
0x40: {  	_ =	shalt  }
0x41: {  	_ =	shalt  }
0x42: {  	_ =	shalt  }
0x43: {  	_ =	shalt  }
0x44: {  	_ =	shalt  }
0x45: {  	_ =	shalt  }
0x46: {  	_ =	shalt  }
0x47: {  	_ =	shalt  }
0x48: {  	_ =	shalt  }
0x49: {  	_ =	shalt  }
0x4a: {  	_ =	shalt  }
0x4b: {  	_ =	shalt  }
0x4c: {  	_ =	shalt  }
0x4d: {  	_ =	shalt  }
0x4e: {  	_ =	shalt  }
0x4f: {  	_ =	shalt  }
0x50: {  	_ =	shalt  }
0x51: {  	_ =	shalt  }
0x52: {  	_ =	shalt  }
0x53: {  	_ =	shalt  }
0x54: {  	_ =	shalt  }
0x55: {  	_ =	shalt  }
0x56: {  	_ =	shalt  }
0x57: {  	_ =	shalt  }
0x58: {  	_ =	shalt  }
0x59: {  	_ =	shalt  }
0x5a: {  	_ =	shalt  }
0x5b: {  	_ =	shalt  }
0x5c: {  	_ =	shalt  }
0x5d: {  	_ =	shalt  }
0x5e: {  	_ =	shalt  }
0x5f: {  	_ =	shalt  }
0x60: {  	_ =	shalt  }
0x61: {  	_ =	shalt  }
0x62: {  	_ =	shalt  }
0x63: {  	_ =	shalt  }
0x64: {  	_ =	shalt  }
0x65: {  	_ =	shalt  }
0x66: {  	_ =	shalt  }
0x67: {  	_ =	shalt  }
0x68: {  	_ =	shalt  }
0x69: {  	_ =	shalt  }
0x6a: {  	_ =	shalt  }
0x6b: {  	_ =	shalt  }
0x6c: {  	_ =	shalt  }
0x6d: {  	_ =	shalt  }
0x6e: {  	_ =	shalt  }
0x6f: {  	_ =	shalt  }
0x70: {  	_ =	shalt  }
0x71: {  	_ =	shalt  }
0x72: {  	_ =	shalt  }
0x73: {  	_ =	shalt  }
0x74: {  	_ =	shalt  }
0x75: {  	_ =	shalt  }
0x76: {  	_ =	shalt  }
0x77: {  	_ =	shalt  }
0x78: {  	_ =	shalt  }
0x79: {  	_ =	shalt  }
0x7a: {  	_ =	shalt  }
0x7b: {  	_ =	shalt  }
0x7c: {  	_ =	shalt  }
0x7d: {  	_ =	shalt  }
0x7e: {  	_ =	shalt  }
0x7f: {  	_ =	shalt  }
0x80: {  	_ =	shalt  }
0x81: {  	_ =	shalt  }
0x82: {  	_ =	shalt  }
0x83: {  	_ =	shalt  }
0x84: {  	_ =	shalt  }
0x85: {  	_ =	shalt  }
0x86: {  	_ =	shalt  }
0x87: {  	_ =	shalt  }
.Lfunc_end0:
.L_simem_size_0:
called_computation.1_lowered:
.L_overlay_start_0:
0x88: {  	s2 =	sld [smem:$0x3FD9]  }
0x89: {  	s3 =	sld [smem:$0x3FFE];
	_ =	sdelay $0x1  }
0x8a: {  	s1 =	srdreg.scid  }
0x8b: {  	s0 =	sand.u32 $0x1, s1  }
0x8c: {  	s17 =	sshll.u32 s0, $0xA;
	s2 =	sadd.s32 s3, s2  }
0x8d: {  	s2 =	sadd.s32 s2, s17  }
0x8e: {  	[smem:$0x3FC1] =	sst s2  }
0x8f: {  	_ = 	snop  }
0x90: {  	s2 =	sld [smem:$0x3FC9]  }
0x91: {  	s18 =	sld [smem:$0x3FD0];
	(tm) =	ssettm $0x1  }
0x92: {  	s4 =	sld [smem:$0x3FFB];
	_ =	sdelay $0x3  }
0x93: {  	_ =	strace s4  }
0x94: {  	s4 =	sld [smem:$0x3FFC];
	_ =	sdelay $0x3  }
0x95: {  	_ =	strace s4  }
0x96: {  	s4 =	sld [smem:$0x3FFD];
	_ =	sdelay $0x3  }
0x97: {  	_ =	strace s4  }
0x98: {  	_ =	strace $0x8FFFFFFF  }
0x99: {  	s19 =	sld [smem:$0x3FDB];
	_ =	sdelay $0x1  }
0x9a: {  	s5 =	simm.s32 $_scs_section_size  }
0x9b: {  	s6 =	simm.s32 $_size__tile_overlayer_lowered;
	s7 =	simm.s32 $_tile_overlayer_lowered  }
0x9c: {  	s22 =	simm.s32 $0x1BFF;
	s21 =	sshll.u32 s7, $0x1;
	s4 =	sadd.s32 s5, s19  }
0x9d: {  	s8 =	simm.s32 $0x0;
	s20 =	sshll.u32 s6, $0x1;
	s6 =	sadd.s32 s21, s4  }
0x9e: {  	[timem:s8], [sflag:s22] =	dma.local [hbm:s6], s20  }
0x9f: {  	_ =	swait.ge [sflag:s22], s20  }
0xa0: {  	s5 =	ssub.s32 $0x0, s20;
	[sflag:s22] =	ssyncset.done $0x0  }
0xa1: {  	[sflag:s22] =	ssyncadd.s32 s5;
	_ =	sdelay $0x1  }
0xa2: {  	s23 =	simm.s32 $0x1B8B  }
0xa3: {  	_ =	swait.ge [sflag:s23], $0x1  }
0xa4: {  	[sflag:s23] =	ssyncset.done $0x0  }
0xa5: {  	s25 =	simm.s32 $0x1B8E;
	s24 =	sld [smem:$0x3FFE];
	[sflag:s23] =	ssyncadd.s32 $0xFFFFFFFF  }
0xa6: {  	s26 =	simm.s32 $execute0_lowered;
	[smem:$0x3FD2] =	sst s25  }
0xa7: {  	s6 =	sshll.u32 s26, $0x1;
	_ =	strace $0x80000049;
	[dreg:$0x1] =	wrdreg $0xFFFFFFFF  }
0xa8: {  	s28 =	simm.s32 $_size_execute0_lowered;
	s4 =	sadd.s32 s4, s6;
	[dreg:$0x0] =	wrdreg $0x0  }
0xa9: {  	s6 =	sshll.u32 s28, $0x1;
	[dreg:$0x2] =	wrdreg s4  }
0xaa: {  	[dreg:$0x3] =	wrdreg s6  }
0xab: {  	[dreg:$0x4] =	wrdreg $0xC0  }
0xac: {  	_ =	task [dreg:s8], $0x5FFFF  }
0xad: {  	[dreg:$0x1] =	wrdreg $0xFFFFFFFF  }
0xae: {  	[dreg:$0x0] =	wrdreg $0x60  }
0xaf: {  	[dreg:$0x2] =	wrdreg s2  }
0xb0: {  	[dreg:$0x3] =	wrdreg s24  }
0xb1: {  	[dreg:$0x4] =	wrdreg s18  }
0xb2: {  	[dreg:$0x5] =	wrdreg $0x9  }
0xb3: {  	_ =	task.clear_ibuf [dreg:s8], $0x6FFFF;
	_ =	strace $0x90000049  }
0xb4: {  	s29 =	simm.s32 $0x9;
	_ =	strace $0x8000004B  }
0xb5: {  	_ =	swait.ge [sflag:s29], $0x1  }
0xb6: {  	[sflag:s29] =	ssyncadd.s32 $0xFFFFFFFF  }
0xb7: {  	_ =	strace $0x9000004B  }
0xb8: {  	_ =	sfence  }
0xb9: {  	s30 =	sld [smem:$0x0];
	_ =	sdelay $0x2  }
0xba: {  	s31 =	sshll.u32 s1, $0xD;
	s1 =	sshrl.u32 s1, $0x2  }
0xbb: {  	s3 =	sand.u32 $0x4000, s31;
	s1 =	sadd.s32 s1, s30  }
0xbc: {  	s0 =	sor.u32 s3, s0;
	s1 =	sshll.u32 s1, $0x11  }
0xbd: {  	s0 =	sor.u32 s1, s0  }
0xbe: {  	s0 =	sadd.s32 $0x8F2B, s0  }
0xbf: {  	[sflag:s0] =	ssyncadd.remote.s32 $0x1  }
0xc0: {  	_ =	sfence.sel $0xFFFF  }
0xc1: {  	[dreg:$0x0] =	wrdreg $0xFFFFFFFF;
	(pc) =	sbr.abs _section_cstart, $3  }
0xc2: {  	[dreg:$0x1] =	wrdreg $0xFFFFFFFF  }
0xc3: {  	_ =	task.clear_ibuf [dreg:s8], $0x2FFFF;
	_ =	strace $0x9FFFFFFF  }
0xc4: {  	(tm) =	ssettm $0x7FFFFFFF  }
0xc5: {  	_ =	shalt  }
tec
execute0_lowered:
.L_overlay_start_1:
0x0: {  	(tag) =	ssettag $0x1  }
0x1: {  	s1 =	rddreg [dreg:$0x0]  }
0x2: {  	s0 =	rddreg [dreg:$0x1]  }
0x3: {  	s5 =	rddreg [dreg:$0x2]  }
0x4: {  	s3 =	srdreg.scid;
	s2 =	stileid.u32;
	s8 =	simm.s32 $0x80  }
0x5: {  	s26 =	simm.s32 $0x880;
	s9 =	simm.s32 $0x1080;
	s10 =	simm.s32 $0x1880  }
0x6: {  	s11 =	simm.s32 $0x2080;
	s12 =	simm.s32 $0x2880;
	s13 =	simm.s32 $0x3080  }
0x7: {  	s14 =	simm.s32 $0x3880;
	s15 =	simm.s32 $0x4080;
	s16 =	simm.s32 $0x4880  }
0x8: {  	s17 =	simm.s32 $0x5080;
	s18 =	simm.s32 $0x5880;
	s19 =	simm.s32 $0x6080  }
0x9: {  	s20 =	simm.s32 $0x6880;
	s21 =	simm.s32 $0x7080;
	s22 =	simm.s32 $0x7880  }
0xa: {  	s23 =	simm.s32 $0x8080;
	s28 =	simm.s32 $0xA080;
	s29 =	simm.s32 $0xA880  }
0xb: {  	s30 =	simm.s32 $0xB080;
	s31 =	simm.s32 $0xB880;
	s4 =	sand.u32 $0x1, s3  }
0xc: {  	s3 =	simm.s32 $0x0;
	s6 =	sshll.u32 s2, $0x4;
	s7 =	sshll.u32 s4, $0x3  }
0xd: {  	[smem:$0x7FF] =	sst s3;
	s4 =	ssub.s32 $0x2, s4;
	s6 =	sor.u32 s7, s6  }
0xe: {  	s24 =	sshrl.u32 s4, $0x1;
	_ =	strace $0x8000004A;
	[dreg:$0x6] =	wrdreg s26  }
0xf: {  	s26 =	simm.s32 $0x9880;
	s0 =	sadd.s32 s6, s0;
	s6 =	smul.u32 $0x300, s6  }
0x10: {  	s7 =	ssub.s32 s4, s24;
	s4 =	sadd.s32 $0x100, s1;
	s0 =	sadd.s32 $0x1A00, s0  }
0x11: {  	v2 =	vlaneseq.u32;
	s24 =	simm.s32 $0x8880;
	[dreg:$0x4] =	wrdreg s0;
	s25 =	sadd.s32 s5, s6  }
0x12: {  	vm0 =	vmmov $0xffff;
	v1 =	vshrl.u32 v2, $0x3;
	s5 =	sadd.s32 $0x200, s1;
	s6 =	smax.u32 s7, $0x1;
	s7 =	simm.s32 $0x2  }
0x13: {  	v0 =	vand.u32 $0x7, v2;
	v2 =	vor.u32 $0x8, v2;
	v1 =	vmul.u32 $0x8, v1;
	s0 =	simm.s32 $0x1;
	[dreg:$0x5] =	wrdreg s25;
	s25 =	simm.s32 $0x9080  }
.LBB2_1:
0x14: {  	s2 =	rddreg [dreg:$0x4]  }
0x15: {  	[tilespmem:s3], [sflag:$0x2] =	stream.linear.gather [hbm4b:s2+s3], $0x40, $0x38;
	[tilespmem:$0xC080] =	vst v63  }
0x16: {  	_ =	swait.ge [sflag:s7], $0x40  }
0x17: {  	[sflag:s7] =	ssyncset.done $0x0  }
0x18: {  	[sflag:s7] =	ssyncadd.s32 $0xFFFFFFC0  }
0x19: {  	v3 =	vld [tilespmem:$0x0];
	_ =	sdelay $0x4  }
0x1a: {  	v4 =	vshrl.u32 v3, $0x3  }
0x1b: {  	v4 =	vmul.u32 $0x30, v4  }
0x1c: {  	v3 =	vand.u32 $0x7, v3  }
0x1d: {  	v3 =	vor.u32 v3, v4  }
0x1e: {  	v4 =	vperm.xlane v3, v0;
	_ =	sdelay $0x1  }
0x1f: {  	v4 =	vadd.s32 v1, v4;
	_ =	sdelay $0x3  }
0x20: {  	v3 =	vperm.xlane v3, v2  }
0x21: {  	[tilespmem:s8], [sflag:$0x1] =	stream.indirect_vreg.gather [hbm4b:s1+s3], $0x80, v4, vm0, $0xb8;
	[tilespmem:$0xC080] =	vst v63  }
0x22: {  	s2 =	rddreg [dreg:$0x6];
	v3 =	vadd.s32 v1, v3  }
0x23: {  	[tilespmem:s2], [sflag:$0x1] =	stream.indirect_vreg.gather [hbm4b:s4+s3], $0x80, v4, vm0, $0xb8;
	[tilespmem:$0xC080] =	vst v63  }
0x24: {  	_ = 	snop  }
0x25: {  	[tilespmem:s9], [sflag:$0x1] =	stream.indirect_vreg.gather [hbm4b:s5+s3], $0x80, v4, vm0, $0xb8;
	[tilespmem:$0xC080] =	vst v63  }
0x26: {  	_ = 	snop  }
0x27: {  	[tilespmem:s10], [sflag:$0x1] =	stream.indirect_vreg.gather [hbm4b:s1+s3], $0x80, v3, vm0, $0xb8;
	[tilespmem:$0xC080] =	vst v63  }
0x28: {  	_ = 	snop  }
0x29: {  	[tilespmem:s11], [sflag:$0x1] =	stream.indirect_vreg.gather [hbm4b:s4+s3], $0x80, v3, vm0, $0xb8;
	[tilespmem:$0xC080] =	vst v63  }
0x2a: {  	_ = 	snop  }
0x2b: {  	[tilespmem:s12], [sflag:$0x1] =	stream.indirect_vreg.gather [hbm4b:s5+s3], $0x80, v3, vm0, $0xb8;
	[tilespmem:$0xC080] =	vst v63  }
0x2c: {  	v3 =	vld [tilespmem:$0x10];
	_ =	sdelay $0x4  }
0x2d: {  	v61 =	vshrl.u32 v3, $0x3  }
0x2e: {  	v4 =	vmul.u32 $0x30, v61  }
0x2f: {  	v3 =	vand.u32 $0x7, v3  }
0x30: {  	v3 =	vor.u32 v3, v4  }
0x31: {  	v4 =	vperm.xlane v3, v0;
	_ =	sdelay $0x1  }
0x32: {  	v4 =	vadd.s32 v1, v4;
	_ =	sdelay $0x3  }
0x33: {  	v3 =	vperm.xlane v3, v2  }
0x34: {  	[tilespmem:s13], [sflag:$0x1] =	stream.indirect_vreg.gather [hbm4b:s1+s3], $0x80, v4, vm0, $0xb8;
	[tilespmem:$0xC080] =	vst v63  }
0x35: {  	v3 =	vadd.s32 v1, v3  }
0x36: {  	[tilespmem:s14], [sflag:$0x1] =	stream.indirect_vreg.gather [hbm4b:s4+s3], $0x80, v4, vm0, $0xb8;
	[tilespmem:$0xC080] =	vst v63  }
0x37: {  	_ = 	snop  }
0x38: {  	[tilespmem:s15], [sflag:$0x1] =	stream.indirect_vreg.gather [hbm4b:s5+s3], $0x80, v4, vm0, $0xb8;
	[tilespmem:$0xC080] =	vst v63  }
0x39: {  	_ = 	snop  }
0x3a: {  	[tilespmem:s16], [sflag:$0x1] =	stream.indirect_vreg.gather [hbm4b:s1+s3], $0x80, v3, vm0, $0xb8;
	[tilespmem:$0xC080] =	vst v63  }
0x3b: {  	_ = 	snop  }
0x3c: {  	[tilespmem:s17], [sflag:$0x1] =	stream.indirect_vreg.gather [hbm4b:s4+s3], $0x80, v3, vm0, $0xb8;
	[tilespmem:$0xC080] =	vst v63  }
0x3d: {  	_ = 	snop  }
0x3e: {  	[tilespmem:s18], [sflag:$0x1] =	stream.indirect_vreg.gather [hbm4b:s5+s3], $0x80, v3, vm0, $0xb8;
	[tilespmem:$0xC080] =	vst v63  }
0x3f: {  	v3 =	vld [tilespmem:$0x20];
	_ =	sdelay $0x4  }
0x40: {  	v62 =	vshrl.u32 v3, $0x3  }
0x41: {  	v4 =	vmul.u32 $0x30, v62  }
0x42: {  	v3 =	vand.u32 $0x7, v3  }
0x43: {  	v3 =	vor.u32 v3, v4  }
0x44: {  	v4 =	vperm.xlane v3, v0;
	_ =	sdelay $0x1  }
0x45: {  	v4 =	vadd.s32 v1, v4;
	_ =	sdelay $0x3  }
0x46: {  	v3 =	vperm.xlane v3, v2  }
0x47: {  	[tilespmem:s19], [sflag:$0x1] =	stream.indirect_vreg.gather [hbm4b:s1+s3], $0x80, v4, vm0, $0xb8;
	[tilespmem:$0xC080] =	vst v63  }
0x48: {  	v3 =	vadd.s32 v1, v3  }
0x49: {  	[tilespmem:s20], [sflag:$0x1] =	stream.indirect_vreg.gather [hbm4b:s4+s3], $0x80, v4, vm0, $0xb8;
	[tilespmem:$0xC080] =	vst v63  }
0x4a: {  	_ = 	snop  }
0x4b: {  	[tilespmem:s21], [sflag:$0x1] =	stream.indirect_vreg.gather [hbm4b:s5+s3], $0x80, v4, vm0, $0xb8;
	[tilespmem:$0xC080] =	vst v63  }
0x4c: {  	_ = 	snop  }
0x4d: {  	[tilespmem:s22], [sflag:$0x1] =	stream.indirect_vreg.gather [hbm4b:s1+s3], $0x80, v3, vm0, $0xb8;
	[tilespmem:$0xC080] =	vst v63  }
0x4e: {  	_ = 	snop  }
0x4f: {  	[tilespmem:s23], [sflag:$0x1] =	stream.indirect_vreg.gather [hbm4b:s4+s3], $0x80, v3, vm0, $0xb8;
	[tilespmem:$0xC080] =	vst v63  }
0x50: {  	_ = 	snop  }
0x51: {  	[tilespmem:s24], [sflag:$0x1] =	stream.indirect_vreg.gather [hbm4b:s5+s3], $0x80, v3, vm0, $0xb8;
	[tilespmem:$0xC080] =	vst v63  }
0x52: {  	v3 =	vld [tilespmem:$0x30];
	_ =	sdelay $0x4  }
0x53: {  	v63 =	vshrl.u32 v3, $0x3  }
0x54: {  	v4 =	vmul.u32 $0x30, v63  }
0x55: {  	v3 =	vand.u32 $0x7, v3  }
0x56: {  	v3 =	vor.u32 v3, v4  }
0x57: {  	v4 =	vperm.xlane v3, v0;
	_ =	sdelay $0x1  }
0x58: {  	v4 =	vadd.s32 v1, v4;
	_ =	sdelay $0x3  }
0x59: {  	v3 =	vperm.xlane v3, v2  }
0x5a: {  	[tilespmem:s25], [sflag:$0x1] =	stream.indirect_vreg.gather [hbm4b:s1+s3], $0x80, v4, vm0, $0xb8;
	[tilespmem:$0xC080] =	vst v63  }
0x5b: {  	v3 =	vadd.s32 v1, v3  }
0x5c: {  	[tilespmem:s26], [sflag:$0x1] =	stream.indirect_vreg.gather [hbm4b:s4+s3], $0x80, v4, vm0, $0xb8;
	[tilespmem:$0xC080] =	vst v63  }
0x5d: {  	_ = 	snop  }
0x5e: {  	[tilespmem:s28], [sflag:$0x1] =	stream.indirect_vreg.gather [hbm4b:s5+s3], $0x80, v4, vm0, $0xb8;
	[tilespmem:$0xC080] =	vst v63  }
0x5f: {  	_ = 	snop  }
0x60: {  	[tilespmem:s29], [sflag:$0x1] =	stream.indirect_vreg.gather [hbm4b:s1+s3], $0x80, v3, vm0, $0xb8;
	[tilespmem:$0xC080] =	vst v63  }
0x61: {  	_ = 	snop  }
0x62: {  	[tilespmem:s30], [sflag:$0x1] =	stream.indirect_vreg.gather [hbm4b:s4+s3], $0x80, v3, vm0, $0xb8;
	[tilespmem:$0xC080] =	vst v63  }
0x63: {  	_ = 	snop  }
0x64: {  	[tilespmem:s31], [sflag:$0x1] =	stream.indirect_vreg.gather [hbm4b:s5+s3], $0x80, v3, vm0, $0xb8;
	[tilespmem:$0xC080] =	vst v63  }
0x65: {  	_ =	swait.ge [sflag:s0], $0xC000  }
0x66: {  	p0 =	sne.s32 s6, $0x1;
	[sflag:s0] =	ssyncset.done $0x0  }
.Ltmp0:
0x67: {  	s2 =	rddreg [dreg:$0x5];
	[sflag:s0] =	ssyncadd.s32 $0xFFFF4000;
	(pc) =	sbr.rel @p0 .LBB2_1-.Ltmp0, $4  }
0x68: {  	[hbm4b:s2+s3] =	stream.linear.scatter [tilespmem:s8], [sflag:$0x2], $0xC000, $0x38;
	[tilespmem:$0xC080] =	vst v63  }
0x69: {  	_ =	swait.ge [sflag:s7], $0xC000  }
0x6a: {  	[sflag:s7] =	ssyncset.done $0x0  }
0x6b: {  	s6 =	sadd.s32 $0xFFFFFFFF, s6;
	[sflag:s7] =	ssyncadd.s32 $0xFFFF4000  }
0x6c: {  	_ =	sfence.sel $0x180000  }
0x6d: {  	[bflag:$0x0] =	sbarrier.arrive $0xFFFF  }
0x6e: {  	_ =	strace $0x9000004A  }
0x6f: {  	s0 =	stileid.u32;
	[bflag:$0x2] =	sbarrier.arrive $0xFFFF  }
0x70: {  	p0 =	sne.s32 s0, $0x0;
	s0 =	rddreg [dreg:$0x3]  }
0x71: {  	s0 =	sadd.s32 @!p0 $0x100000, s0  }
0x72: {  	[sflag:s0] =	ssyncadd.tile.s32 @!p0 $0x1;
	_ =	shalt  }
.Lfunc_end2:
_tile_overlayer_lowered:
.L_overlay_start_2:
0x73: {  	(tag) =	ssettag $0x2  }
0x74: {  	s0 =	rddreg [dreg:$0x0];
	s2 =	stileid.u32  }
0x75: {  	s1 =	rddreg [dreg:$0x1];
	p0 =	sne.s32 s2, $0x0  }
0x76: {  	s3 =	rddreg [dreg:$0x2];
	[bflag:$0x3] =	sbarrier.arrive $0xFFFF;
	s2 =	simm.s32 @!p0 $0x1C02  }
0x77: {  	[timem:s3], [sflag:s2] =	dma.local @!p0 [hbm:s0], s1  }
0x78: {  	s0 =	simm.s32 @!p0 $0x2  }
0x79: {  	_ =	swait.ge @!p0 [sflag:s0], s1  }
0x7a: {  	s1 =	ssub.s32 @!p0 $0x0, s1;
	[sflag:s0] =	ssyncset.done @!p0 $0x0  }
0x7b: {  	[sflag:s0] =	ssyncadd.s32 @!p0 s1  }
0x7c: {  	[bflag:$0x3] =	sbarrier.arrive $0xFFFF  }
0x7d: {  	_ =	shalt  }

// kernel: kernel.13.cloned.1.call-start
scs
__scs_entry_jumppad:
0x0: {  	(pc) =	sbr.rel $0x88, $3  }
0x1: {  	(tag) =	ssettag $0x0;
	lr =	simm.s32 $0x1  }
0x2: {  	[smem:$0x3F9A] =	sst lr;
	_ =	strace $0xD0000000  }
0x3: {  	_ = 	snop  }
0x4: {  	_ = 	snop  }
0x5: {  	_ = 	snop  }
0x6: {  	_ = 	snop  }
0x7: {  	_ = 	snop  }
__scs_overlays_trampoline_lowered:
0x8: {  	[smem:$0x3FA9] =	sst s0  }
0x9: {  	[smem:$0x3FAA] =	sst s1  }
0xa: {  	[smem:$0x3FAB] =	sst s2  }
0xb: {  	[smem:$0x3FAC] =	sst s3  }
0xc: {  	[smem:$0x3FAD] =	sst s4  }
0xd: {  	[smem:$0x3FAE] =	sst s5  }
0xe: {  	[smem:$0x3FAF] =	sst s6  }
0xf: {  	[smem:$0x3FB0] =	sst s7  }
0x10: {  	[smem:$0x3FB1] =	sst s8  }
0x11: {  	[smem:$0x3FB2] =	sst s9;
	s0 =	simm.s32 @!p0 $0x0  }
0x12: {  	s1 =	sld [smem:$0x3F98];
	s0 =	simm.s32 @p0 $0x1  }
0x13: {  	[smem:$0x3FB3] =	sst s0;
	s0 =	simm.s32 @!p1 $0x0  }
0x14: {  	s2 =	sld [smem:$0x3F97];
	s0 =	simm.s32 @p1 $0x1  }
0x15: {  	[smem:$0x3FB4] =	sst s0;
	s0 =	simm.s32 @!p2 $0x0  }
0x16: {  	s3 =	sld [smem:$0x3FDB];
	s0 =	simm.s32 @p2 $0x1  }
0x17: {  	s4 =	simm.s32 $0x1BF5;
	[smem:$0x3FB6] =	sst s0  }
0x18: {  	s0 =	sld [smem:$0x3F99];
	_ =	swait.ge [sflag:s4], $0x0  }
0x19: {  	s7 =	sld [smem:$0x3F9A]  }
0x1a: {  	s8 =	sadd.s32 $0xFFFFE003, lr  }
0x1b: {  	s9 =	sadd.s32 $0xFFFFFEF7, lr;
	s5 =	simm.s32 $0xFFFFFFFF;
	p2 =	slt.u32 s8, $0xFFFFF086  }
0x1c: {  	p1 =	slt.u32 s9, $0xF7A;
	s5 =	simm.s32 @!p2 $0x0  }
0x1d: {  	s5 =	simm.s32 @p1 $0x1;
	p0 =	seq.s32 s7, s2  }
0x1e: {  	s7 =	smul.u32 @!p0 $0xF7A, s2;
	p2 =	seq.s32 @!p0 s5, $0x0  }
0x1f: {  	s9 =	smul.u32 $0xF7A, s1;
	s8 =	simm.s32 @!p0 $0x1BF5;
	p2 =	por !p2, p0  }
0x20: {  	[sflag:s8] =	ssyncset.s32 @!p0 $0xFFFFF086;
	s6 =	sadd.s32 @!p0 s3, s7;
	s7 =	simm.s32 @!p0 $0x108  }
0x21: {  	s3 =	sadd.s32 s3, s9;
	s6 =	sadd.s32 @!p0 $0x88, s6;
	s7 =	simm.s32 @p2 $0x1082  }
0x22: {  	[simem:s7], [sflag:s8] =	dma.local @!p0 [hbm:s6], $0xF7A  }
0x23: {  	s9 =	sor.u32 $0xD0000000, s2;
	s6 =	simm.s32 $0x108;
	_ =	swait.ge @!p0 [sflag:s8], $0x0  }
0x24: {  	s3 =	sadd.s32 $0x88, s3;
	s6 =	simm.s32 @!p1 $0x1082;
	[sflag:s4] =	ssyncset.s32 $0xFFFFF086  }
0x25: {  	[simem:s6], [sflag:s4] =	dma.local [hbm:s3], $0xF7A  }
0x26: {  	[smem:$0x3F9A] =	sst s1;
	(tag) =	ssettag s2;
	_ =	strace s9  }
0x27: {  	s1 =	sld [smem:$0x3FAA]  }
0x28: {  	s2 =	sld [smem:$0x3FAB]  }
0x29: {  	s4 =	sld [smem:$0x3FAD]  }
0x2a: {  	p0 =	seq.s32 s5, $0x0;
	s5 =	sld [smem:$0x3FAE]  }
0x2b: {  	s6 =	sld [smem:$0x3FAF]  }
0x2c: {  	s7 =	sld [smem:$0x3FB0]  }
0x2d: {  	s3 =	simm.s32 $0x108;
	s8 =	sld [smem:$0x3FB1]  }
0x2e: {  	s3 =	simm.s32 @!p0 $0x1082;
	s9 =	sld [smem:$0x3FB2]  }
0x2f: {  	lr =	sadd.s32 s0, s3;
	s0 =	sld [smem:$0x3FA9]  }
0x30: {  	s3 =	sld [smem:$0x3FAC]  }
0x31: {  	[smem:$0x3FB5] =	sst s10  }
0x32: {  	s10 =	sld [smem:$0x3FB3];
	_ =	sdelay $0x3  }
0x33: {  	p0 =	seq.s32 s10, $0x1;
	s10 =	sld [smem:$0x3FB5];
	_ =	sdelay $0x3  }
0x34: {  	[smem:$0x3FB5] =	sst s10  }
0x35: {  	s10 =	sld [smem:$0x3FB4];
	_ =	sdelay $0x3  }
0x36: {  	p1 =	seq.s32 s10, $0x1;
	s10 =	sld [smem:$0x3FB5];
	_ =	sdelay $0x3  }
0x37: {  	[smem:$0x3FB5] =	sst s10  }
0x38: {  	s10 =	sld [smem:$0x3FB6]  }
0x39: {  	_ = 	snop;
	(pc) =	sbr.ind lr, $3  }
0x3a: {  	_ = 	snop  }
0x3b: {  	_ = 	snop  }
0x3c: {  	p2 =	seq.s32 s10, $0x1;
	s10 =	sld [smem:$0x3FB5]  }
0x3d: {  	_ =	shalt  }
0x3e: {  	_ =	shalt  }
0x3f: {  	_ =	shalt  }
0x40: {  	_ =	shalt  }
0x41: {  	_ =	shalt  }
0x42: {  	_ =	shalt  }
0x43: {  	_ =	shalt  }
0x44: {  	_ =	shalt  }
0x45: {  	_ =	shalt  }
0x46: {  	_ =	shalt  }
0x47: {  	_ =	shalt  }
0x48: {  	_ =	shalt  }
0x49: {  	_ =	shalt  }
0x4a: {  	_ =	shalt  }
0x4b: {  	_ =	shalt  }
0x4c: {  	_ =	shalt  }
0x4d: {  	_ =	shalt  }
0x4e: {  	_ =	shalt  }
0x4f: {  	_ =	shalt  }
0x50: {  	_ =	shalt  }
0x51: {  	_ =	shalt  }
0x52: {  	_ =	shalt  }
0x53: {  	_ =	shalt  }
0x54: {  	_ =	shalt  }
0x55: {  	_ =	shalt  }
0x56: {  	_ =	shalt  }
0x57: {  	_ =	shalt  }
0x58: {  	_ =	shalt  }
0x59: {  	_ =	shalt  }
0x5a: {  	_ =	shalt  }
0x5b: {  	_ =	shalt  }
0x5c: {  	_ =	shalt  }
0x5d: {  	_ =	shalt  }
0x5e: {  	_ =	shalt  }
0x5f: {  	_ =	shalt  }
0x60: {  	_ =	shalt  }
0x61: {  	_ =	shalt  }
0x62: {  	_ =	shalt  }
0x63: {  	_ =	shalt  }
0x64: {  	_ =	shalt  }
0x65: {  	_ =	shalt  }
0x66: {  	_ =	shalt  }
0x67: {  	_ =	shalt  }
0x68: {  	_ =	shalt  }
0x69: {  	_ =	shalt  }
0x6a: {  	_ =	shalt  }
0x6b: {  	_ =	shalt  }
0x6c: {  	_ =	shalt  }
0x6d: {  	_ =	shalt  }
0x6e: {  	_ =	shalt  }
0x6f: {  	_ =	shalt  }
0x70: {  	_ =	shalt  }
0x71: {  	_ =	shalt  }
0x72: {  	_ =	shalt  }
0x73: {  	_ =	shalt  }
0x74: {  	_ =	shalt  }
0x75: {  	_ =	shalt  }
0x76: {  	_ =	shalt  }
0x77: {  	_ =	shalt  }
0x78: {  	_ =	shalt  }
0x79: {  	_ =	shalt  }
0x7a: {  	_ =	shalt  }
0x7b: {  	_ =	shalt  }
0x7c: {  	_ =	shalt  }
0x7d: {  	_ =	shalt  }
0x7e: {  	_ =	shalt  }
0x7f: {  	_ =	shalt  }
0x80: {  	_ =	shalt  }
0x81: {  	_ =	shalt  }
0x82: {  	_ =	shalt  }
0x83: {  	_ =	shalt  }
0x84: {  	_ =	shalt  }
0x85: {  	_ =	shalt  }
0x86: {  	_ =	shalt  }
0x87: {  	_ =	shalt  }
.Lfunc_end0:
.L_simem_size_0:
called_computation.2_lowered:
.L_overlay_start_0:
0x88: {  	s2 =	sld [smem:$0x3FD9]  }
0x89: {  	s3 =	sld [smem:$0x3FFE];
	_ =	sdelay $0x1  }
0x8a: {  	s1 =	srdreg.scid  }
0x8b: {  	s0 =	sand.u32 $0x1, s1  }
0x8c: {  	s17 =	sshll.u32 s0, $0xA;
	s2 =	sadd.s32 s3, s2  }
0x8d: {  	s2 =	sadd.s32 s2, s17  }
0x8e: {  	[smem:$0x3FC1] =	sst s2  }
0x8f: {  	_ = 	snop  }
0x90: {  	s2 =	sld [smem:$0x3FD0];
	(tm) =	ssettm $0x1  }
0x91: {  	s18 =	sld [smem:$0x3FFB];
	_ =	sdelay $0x3  }
0x92: {  	_ =	strace s18  }
0x93: {  	s3 =	sld [smem:$0x3FFC];
	_ =	sdelay $0x3  }
0x94: {  	_ =	strace s3  }
0x95: {  	s3 =	sld [smem:$0x3FFD];
	_ =	sdelay $0x3  }
0x96: {  	_ =	strace s3  }
0x97: {  	_ =	strace $0x8FFFFFFF  }
0x98: {  	s19 =	sld [smem:$0x3FDB];
	_ =	sdelay $0x1  }
0x99: {  	s4 =	simm.s32 $_scs_section_size  }
0x9a: {  	s5 =	simm.s32 $_size__tile_overlayer_lowered;
	s6 =	simm.s32 $_tile_overlayer_lowered  }
0x9b: {  	s22 =	simm.s32 $0x1BFF;
	s21 =	sshll.u32 s6, $0x1;
	s3 =	sadd.s32 s4, s19  }
0x9c: {  	s7 =	simm.s32 $0x0;
	s20 =	sshll.u32 s5, $0x1;
	s5 =	sadd.s32 s21, s3  }
0x9d: {  	[timem:s7], [sflag:s22] =	dma.local [hbm:s5], s20  }
0x9e: {  	_ =	swait.ge [sflag:s22], s20  }
0x9f: {  	s4 =	ssub.s32 $0x0, s20;
	[sflag:s22] =	ssyncset.done $0x0  }
0xa0: {  	[sflag:s22] =	ssyncadd.s32 s4;
	_ =	sdelay $0x1  }
0xa1: {  	s23 =	simm.s32 $0x1B8B  }
0xa2: {  	_ =	swait.ge [sflag:s23], $0x1  }
0xa3: {  	[sflag:s23] =	ssyncset.done $0x0  }
0xa4: {  	s25 =	simm.s32 $0x1B8E;
	s24 =	sld [smem:$0x3FFE];
	[sflag:s23] =	ssyncadd.s32 $0xFFFFFFFF  }
0xa5: {  	s26 =	simm.s32 $execute0_lowered;
	[smem:$0x3FD2] =	sst s25  }
0xa6: {  	s5 =	sshll.u32 s26, $0x1;
	_ =	strace $0x8000004C;
	[dreg:$0x1] =	wrdreg $0xFFFFFFFF  }
0xa7: {  	s28 =	simm.s32 $_size_execute0_lowered;
	s3 =	sadd.s32 s3, s5;
	[dreg:$0x0] =	wrdreg $0x0  }
0xa8: {  	s5 =	sshll.u32 s28, $0x1;
	[dreg:$0x2] =	wrdreg s3  }
0xa9: {  	[dreg:$0x3] =	wrdreg s5  }
0xaa: {  	[dreg:$0x4] =	wrdreg $0xC0  }
0xab: {  	_ =	task [dreg:s7], $0x5FFFF  }
0xac: {  	[dreg:$0x1] =	wrdreg $0xFFFFFFFF  }
0xad: {  	[dreg:$0x0] =	wrdreg $0x60  }
0xae: {  	[dreg:$0x2] =	wrdreg s24  }
0xaf: {  	[dreg:$0x3] =	wrdreg s2  }
0xb0: {  	[dreg:$0x4] =	wrdreg $0x9  }
0xb1: {  	_ =	task.clear_ibuf [dreg:s7], $0x5FFFF;
	_ =	strace $0x9000004C  }
0xb2: {  	s29 =	simm.s32 $0x9;
	_ =	strace $0x8000004E  }
0xb3: {  	_ =	swait.ge [sflag:s29], $0x1  }
0xb4: {  	[sflag:s29] =	ssyncadd.s32 $0xFFFFFFFF  }
0xb5: {  	_ =	strace $0x9000004E  }
0xb6: {  	_ =	sfence  }
0xb7: {  	s30 =	sld [smem:$0x0];
	_ =	sdelay $0x2  }
0xb8: {  	s31 =	sshll.u32 s1, $0xD;
	s1 =	sshrl.u32 s1, $0x2  }
0xb9: {  	s3 =	sand.u32 $0x4000, s31;
	s1 =	sadd.s32 s1, s30  }
0xba: {  	s0 =	sor.u32 s3, s0;
	s1 =	sshll.u32 s1, $0x11  }
0xbb: {  	s0 =	sor.u32 s1, s0  }
0xbc: {  	s0 =	sadd.s32 $0x8F2B, s0  }
0xbd: {  	[sflag:s0] =	ssyncadd.remote.s32 $0x1  }
0xbe: {  	_ =	sfence.sel $0xFFFF  }
0xbf: {  	[dreg:$0x0] =	wrdreg $0xFFFFFFFF;
	(pc) =	sbr.abs _section_cstart, $3  }
0xc0: {  	[dreg:$0x1] =	wrdreg $0xFFFFFFFF  }
0xc1: {  	_ =	task.clear_ibuf [dreg:s7], $0x2FFFF;
	_ =	strace $0x9FFFFFFF  }
0xc2: {  	(tm) =	ssettm $0x7FFFFFFF  }
0xc3: {  	_ =	shalt  }
tec
execute0_lowered:
.L_overlay_start_1:
0x0: {  	(tag) =	ssettag $0x1  }
0x1: {  	s0 =	rddreg [dreg:$0x0]  }
0x2: {  	s5 =	rddreg [dreg:$0x1];
	s3 =	srdreg.scid  }
0x3: {  	s2 =	simm.s32 $0x0;
	s1 =	stileid.u32;
	s26 =	simm.s32 $0x880  }
0x4: {  	s10 =	simm.s32 $0x1880;
	s11 =	simm.s32 $0x2080;
	s12 =	simm.s32 $0x2880  }
0x5: {  	s13 =	simm.s32 $0x3080;
	s14 =	simm.s32 $0x3880;
	s15 =	simm.s32 $0x4080  }
0x6: {  	s16 =	simm.s32 $0x4880;
	s17 =	simm.s32 $0x5080;
	s18 =	simm.s32 $0x5880  }
0x7: {  	s19 =	simm.s32 $0x6080;
	s20 =	simm.s32 $0x6880;
	s21 =	simm.s32 $0x7080  }
0x8: {  	s22 =	simm.s32 $0x7880;
	s28 =	simm.s32 $0xA080;
	s29 =	simm.s32 $0xA880  }
0x9: {  	s30 =	simm.s32 $0xB080;
	s31 =	simm.s32 $0xB880;
	s3 =	sand.u32 $0x1, s3  }
0xa: {  	[smem:$0x7FF] =	sst s2;
	s4 =	sshll.u32 s1, $0x4;
	s6 =	sshll.u32 s3, $0x3  }
0xb: {  	_ =	strace $0x8000004D;
	s23 =	ssub.s32 $0x2, s3;
	s3 =	sadd.s32 $0x1800, s0  }
0xc: {  	[dreg:$0x5] =	wrdreg s26;
	s26 =	simm.s32 $0x9880;
	s4 =	sor.u32 s6, s4  }
0xd: {  	s8 =	sshrl.u32 s23, $0x1;
	s7 =	sadd.s32 s4, s0;
	s9 =	smul.u32 $0x300, s4  }
0xe: {  	s6 =	ssub.s32 s23, s8;
	s4 =	sadd.s32 $0x1900, s0;
	s8 =	simm.s32 $0x80  }
0xf: {  	s23 =	simm.s32 $0x8080;
	s24 =	sadd.s32 $0x1600, s7;
	s6 =	smax.u32 s6, $0x1  }
0x10: {  	v2 =	vlaneseq.u32;
	s7 =	simm.s32 $0x2;
	[dreg:$0x3] =	wrdreg s24;
	s25 =	sadd.s32 s5, s9  }
0x11: {  	vm0 =	vmmov $0xffff;
	v1 =	vshrl.u32 v2, $0x3;
	s5 =	sadd.s32 $0x1A00, s0;
	s9 =	simm.s32 $0x1080;
	s24 =	simm.s32 $0x8880  }
0x12: {  	v0 =	vand.u32 $0x7, v2;
	v2 =	vor.u32 $0x8, v2;
	v1 =	vmul.u32 $0x8, v1;
	s0 =	simm.s32 $0x1;
	[dreg:$0x4] =	wrdreg s25;
	s25 =	simm.s32 $0x9080  }
.LBB2_1:
0x13: {  	s1 =	rddreg [dreg:$0x3]  }
0x14: {  	[tilespmem:s2], [sflag:$0x2] =	stream.linear.gather [hbm4b:s1+s2], $0x40, $0x38;
	[tilespmem:$0xC080] =	vst v63  }
0x15: {  	_ =	swait.ge [sflag:s7], $0x40  }
0x16: {  	[sflag:s7] =	ssyncset.done $0x0  }
0x17: {  	[sflag:s7] =	ssyncadd.s32 $0xFFFFFFC0  }
0x18: {  	v3 =	vld [tilespmem:$0x0];
	_ =	sdelay $0x4  }
0x19: {  	v4 =	vshrl.u32 v3, $0x3  }
0x1a: {  	v4 =	vmul.u32 $0x30, v4  }
0x1b: {  	v3 =	vand.u32 $0x7, v3  }
0x1c: {  	v3 =	vor.u32 v3, v4  }
0x1d: {  	v4 =	vperm.xlane v3, v0;
	_ =	sdelay $0x1  }
0x1e: {  	v4 =	vadd.s32 v1, v4;
	_ =	sdelay $0x3  }
0x1f: {  	v3 =	vperm.xlane v3, v2  }
0x20: {  	[tilespmem:s8], [sflag:$0x1] =	stream.indirect_vreg.gather [hbm4b:s3+s2], $0x80, v4, vm0, $0xb8;
	[tilespmem:$0xC080] =	vst v63  }
0x21: {  	s1 =	rddreg [dreg:$0x5];
	v3 =	vadd.s32 v1, v3  }
0x22: {  	[tilespmem:s1], [sflag:$0x1] =	stream.indirect_vreg.gather [hbm4b:s4+s2], $0x80, v4, vm0, $0xb8;
	[tilespmem:$0xC080] =	vst v63  }
0x23: {  	_ = 	snop  }
0x24: {  	[tilespmem:s9], [sflag:$0x1] =	stream.indirect_vreg.gather [hbm4b:s5+s2], $0x80, v4, vm0, $0xb8;
	[tilespmem:$0xC080] =	vst v63  }
0x25: {  	_ = 	snop  }
0x26: {  	[tilespmem:s10], [sflag:$0x1] =	stream.indirect_vreg.gather [hbm4b:s3+s2], $0x80, v3, vm0, $0xb8;
	[tilespmem:$0xC080] =	vst v63  }
0x27: {  	_ = 	snop  }
0x28: {  	[tilespmem:s11], [sflag:$0x1] =	stream.indirect_vreg.gather [hbm4b:s4+s2], $0x80, v3, vm0, $0xb8;
	[tilespmem:$0xC080] =	vst v63  }
0x29: {  	_ = 	snop  }
0x2a: {  	[tilespmem:s12], [sflag:$0x1] =	stream.indirect_vreg.gather [hbm4b:s5+s2], $0x80, v3, vm0, $0xb8;
	[tilespmem:$0xC080] =	vst v63  }
0x2b: {  	v3 =	vld [tilespmem:$0x10];
	_ =	sdelay $0x4  }
0x2c: {  	v61 =	vshrl.u32 v3, $0x3  }
0x2d: {  	v4 =	vmul.u32 $0x30, v61  }
0x2e: {  	v3 =	vand.u32 $0x7, v3  }
0x2f: {  	v3 =	vor.u32 v3, v4  }
0x30: {  	v4 =	vperm.xlane v3, v0;
	_ =	sdelay $0x1  }
0x31: {  	v4 =	vadd.s32 v1, v4;
	_ =	sdelay $0x3  }
0x32: {  	v3 =	vperm.xlane v3, v2  }
0x33: {  	[tilespmem:s13], [sflag:$0x1] =	stream.indirect_vreg.gather [hbm4b:s3+s2], $0x80, v4, vm0, $0xb8;
	[tilespmem:$0xC080] =	vst v63  }
0x34: {  	v3 =	vadd.s32 v1, v3  }
0x35: {  	[tilespmem:s14], [sflag:$0x1] =	stream.indirect_vreg.gather [hbm4b:s4+s2], $0x80, v4, vm0, $0xb8;
	[tilespmem:$0xC080] =	vst v63  }
0x36: {  	_ = 	snop  }
0x37: {  	[tilespmem:s15], [sflag:$0x1] =	stream.indirect_vreg.gather [hbm4b:s5+s2], $0x80, v4, vm0, $0xb8;
	[tilespmem:$0xC080] =	vst v63  }
0x38: {  	_ = 	snop  }
0x39: {  	[tilespmem:s16], [sflag:$0x1] =	stream.indirect_vreg.gather [hbm4b:s3+s2], $0x80, v3, vm0, $0xb8;
	[tilespmem:$0xC080] =	vst v63  }
0x3a: {  	_ = 	snop  }
0x3b: {  	[tilespmem:s17], [sflag:$0x1] =	stream.indirect_vreg.gather [hbm4b:s4+s2], $0x80, v3, vm0, $0xb8;
	[tilespmem:$0xC080] =	vst v63  }
0x3c: {  	_ = 	snop  }
0x3d: {  	[tilespmem:s18], [sflag:$0x1] =	stream.indirect_vreg.gather [hbm4b:s5+s2], $0x80, v3, vm0, $0xb8;
	[tilespmem:$0xC080] =	vst v63  }
0x3e: {  	v3 =	vld [tilespmem:$0x20];
	_ =	sdelay $0x4  }
0x3f: {  	v62 =	vshrl.u32 v3, $0x3  }
0x40: {  	v4 =	vmul.u32 $0x30, v62  }
0x41: {  	v3 =	vand.u32 $0x7, v3  }
0x42: {  	v3 =	vor.u32 v3, v4  }
0x43: {  	v4 =	vperm.xlane v3, v0;
	_ =	sdelay $0x1  }
0x44: {  	v4 =	vadd.s32 v1, v4;
	_ =	sdelay $0x3  }
0x45: {  	v3 =	vperm.xlane v3, v2  }
0x46: {  	[tilespmem:s19], [sflag:$0x1] =	stream.indirect_vreg.gather [hbm4b:s3+s2], $0x80, v4, vm0, $0xb8;
	[tilespmem:$0xC080] =	vst v63  }
0x47: {  	v3 =	vadd.s32 v1, v3  }
0x48: {  	[tilespmem:s20], [sflag:$0x1] =	stream.indirect_vreg.gather [hbm4b:s4+s2], $0x80, v4, vm0, $0xb8;
	[tilespmem:$0xC080] =	vst v63  }
0x49: {  	_ = 	snop  }
0x4a: {  	[tilespmem:s21], [sflag:$0x1] =	stream.indirect_vreg.gather [hbm4b:s5+s2], $0x80, v4, vm0, $0xb8;
	[tilespmem:$0xC080] =	vst v63  }
0x4b: {  	_ = 	snop  }
0x4c: {  	[tilespmem:s22], [sflag:$0x1] =	stream.indirect_vreg.gather [hbm4b:s3+s2], $0x80, v3, vm0, $0xb8;
	[tilespmem:$0xC080] =	vst v63  }
0x4d: {  	_ = 	snop  }
0x4e: {  	[tilespmem:s23], [sflag:$0x1] =	stream.indirect_vreg.gather [hbm4b:s4+s2], $0x80, v3, vm0, $0xb8;
	[tilespmem:$0xC080] =	vst v63  }
0x4f: {  	_ = 	snop  }
0x50: {  	[tilespmem:s24], [sflag:$0x1] =	stream.indirect_vreg.gather [hbm4b:s5+s2], $0x80, v3, vm0, $0xb8;
	[tilespmem:$0xC080] =	vst v63  }
0x51: {  	v3 =	vld [tilespmem:$0x30];
	_ =	sdelay $0x4  }
0x52: {  	v63 =	vshrl.u32 v3, $0x3  }
0x53: {  	v4 =	vmul.u32 $0x30, v63  }
0x54: {  	v3 =	vand.u32 $0x7, v3  }
0x55: {  	v3 =	vor.u32 v3, v4  }
0x56: {  	v4 =	vperm.xlane v3, v0;
	_ =	sdelay $0x1  }
0x57: {  	v4 =	vadd.s32 v1, v4;
	_ =	sdelay $0x3  }
0x58: {  	v3 =	vperm.xlane v3, v2  }
0x59: {  	[tilespmem:s25], [sflag:$0x1] =	stream.indirect_vreg.gather [hbm4b:s3+s2], $0x80, v4, vm0, $0xb8;
	[tilespmem:$0xC080] =	vst v63  }
0x5a: {  	v3 =	vadd.s32 v1, v3  }
0x5b: {  	[tilespmem:s26], [sflag:$0x1] =	stream.indirect_vreg.gather [hbm4b:s4+s2], $0x80, v4, vm0, $0xb8;
	[tilespmem:$0xC080] =	vst v63  }
0x5c: {  	_ = 	snop  }
0x5d: {  	[tilespmem:s28], [sflag:$0x1] =	stream.indirect_vreg.gather [hbm4b:s5+s2], $0x80, v4, vm0, $0xb8;
	[tilespmem:$0xC080] =	vst v63  }
0x5e: {  	_ = 	snop  }
0x5f: {  	[tilespmem:s29], [sflag:$0x1] =	stream.indirect_vreg.gather [hbm4b:s3+s2], $0x80, v3, vm0, $0xb8;
	[tilespmem:$0xC080] =	vst v63  }
0x60: {  	_ = 	snop  }
0x61: {  	[tilespmem:s30], [sflag:$0x1] =	stream.indirect_vreg.gather [hbm4b:s4+s2], $0x80, v3, vm0, $0xb8;
	[tilespmem:$0xC080] =	vst v63  }
0x62: {  	_ = 	snop  }
0x63: {  	[tilespmem:s31], [sflag:$0x1] =	stream.indirect_vreg.gather [hbm4b:s5+s2], $0x80, v3, vm0, $0xb8;
	[tilespmem:$0xC080] =	vst v63  }
0x64: {  	_ =	swait.ge [sflag:s0], $0xC000  }
0x65: {  	p0 =	sne.s32 s6, $0x1;
	[sflag:s0] =	ssyncset.done $0x0  }
.Ltmp0:
0x66: {  	s1 =	rddreg [dreg:$0x4];
	[sflag:s0] =	ssyncadd.s32 $0xFFFF4000;
	(pc) =	sbr.rel @p0 .LBB2_1-.Ltmp0, $4  }
0x67: {  	[hbm4b:s1+s2] =	stream.linear.scatter [tilespmem:s8], [sflag:$0x2], $0xC000, $0x38;
	[tilespmem:$0xC080] =	vst v63  }
0x68: {  	_ =	swait.ge [sflag:s7], $0xC000  }
0x69: {  	[sflag:s7] =	ssyncset.done $0x0  }
0x6a: {  	s6 =	sadd.s32 $0xFFFFFFFF, s6;
	[sflag:s7] =	ssyncadd.s32 $0xFFFF4000  }
0x6b: {  	_ =	sfence.sel $0x180000  }
0x6c: {  	[bflag:$0x0] =	sbarrier.arrive $0xFFFF  }
0x6d: {  	_ =	strace $0x9000004D  }
0x6e: {  	s0 =	stileid.u32;
	[bflag:$0x2] =	sbarrier.arrive $0xFFFF  }
0x6f: {  	p0 =	sne.s32 s0, $0x0;
	s0 =	rddreg [dreg:$0x2]  }
0x70: {  	s0 =	sadd.s32 @!p0 $0x100000, s0  }
0x71: {  	[sflag:s0] =	ssyncadd.tile.s32 @!p0 $0x1;
	_ =	shalt  }
.Lfunc_end2:
_tile_overlayer_lowered:
.L_overlay_start_2:
0x72: {  	(tag) =	ssettag $0x2  }
0x73: {  	s0 =	rddreg [dreg:$0x0];
	s2 =	stileid.u32  }
0x74: {  	s1 =	rddreg [dreg:$0x1];
	p0 =	sne.s32 s2, $0x0  }
0x75: {  	s3 =	rddreg [dreg:$0x2];
	[bflag:$0x3] =	sbarrier.arrive $0xFFFF;
	s2 =	simm.s32 @!p0 $0x1C02  }
0x76: {  	[timem:s3], [sflag:s2] =	dma.local @!p0 [hbm:s0], s1  }
0x77: {  	s0 =	simm.s32 @!p0 $0x2  }
0x78: {  	_ =	swait.ge @!p0 [sflag:s0], s1  }
0x79: {  	s1 =	ssub.s32 @!p0 $0x0, s1;
	[sflag:s0] =	ssyncset.done @!p0 $0x0  }
0x7a: {  	[sflag:s0] =	ssyncadd.s32 @!p0 s1  }
0x7b: {  	[bflag:$0x3] =	sbarrier.arrive $0xFFFF  }
0x7c: {  	_ =	shalt  }

// kernel: kernel.7.cloned.1.call-start
scs
__scs_entry_jumppad:
0x0: {  	(pc) =	sbr.rel $0x88, $3  }
0x1: {  	(tag) =	ssettag $0x0;
	lr =	simm.s32 $0x1  }
0x2: {  	[smem:$0x3F9A] =	sst lr;
	_ =	strace $0xD0000000  }
0x3: {  	_ = 	snop  }
0x4: {  	_ = 	snop  }
0x5: {  	_ = 	snop  }
0x6: {  	_ = 	snop  }
0x7: {  	_ = 	snop  }
__scs_overlays_trampoline_lowered:
0x8: {  	[smem:$0x3FA9] =	sst s0  }
0x9: {  	[smem:$0x3FAA] =	sst s1  }
0xa: {  	[smem:$0x3FAB] =	sst s2  }
0xb: {  	[smem:$0x3FAC] =	sst s3  }
0xc: {  	[smem:$0x3FAD] =	sst s4  }
0xd: {  	[smem:$0x3FAE] =	sst s5  }
0xe: {  	[smem:$0x3FAF] =	sst s6  }
0xf: {  	[smem:$0x3FB0] =	sst s7  }
0x10: {  	[smem:$0x3FB1] =	sst s8  }
0x11: {  	[smem:$0x3FB2] =	sst s9;
	s0 =	simm.s32 @!p0 $0x0  }
0x12: {  	s1 =	sld [smem:$0x3F98];
	s0 =	simm.s32 @p0 $0x1  }
0x13: {  	[smem:$0x3FB3] =	sst s0;
	s0 =	simm.s32 @!p1 $0x0  }
0x14: {  	s2 =	sld [smem:$0x3F97];
	s0 =	simm.s32 @p1 $0x1  }
0x15: {  	[smem:$0x3FB4] =	sst s0;
	s0 =	simm.s32 @!p2 $0x0  }
0x16: {  	s3 =	sld [smem:$0x3FDB];
	s0 =	simm.s32 @p2 $0x1  }
0x17: {  	s4 =	simm.s32 $0x1BF5;
	[smem:$0x3FB6] =	sst s0  }
0x18: {  	s0 =	sld [smem:$0x3F99];
	_ =	swait.ge [sflag:s4], $0x0  }
0x19: {  	s7 =	sld [smem:$0x3F9A]  }
0x1a: {  	s8 =	sadd.s32 $0xFFFFE003, lr  }
0x1b: {  	s9 =	sadd.s32 $0xFFFFFEF7, lr;
	s5 =	simm.s32 $0xFFFFFFFF;
	p2 =	slt.u32 s8, $0xFFFFF086  }
0x1c: {  	p1 =	slt.u32 s9, $0xF7A;
	s5 =	simm.s32 @!p2 $0x0  }
0x1d: {  	s5 =	simm.s32 @p1 $0x1;
	p0 =	seq.s32 s7, s2  }
0x1e: {  	s7 =	smul.u32 @!p0 $0xF7A, s2;
	p2 =	seq.s32 @!p0 s5, $0x0  }
0x1f: {  	s9 =	smul.u32 $0xF7A, s1;
	s8 =	simm.s32 @!p0 $0x1BF5;
	p2 =	por !p2, p0  }
0x20: {  	[sflag:s8] =	ssyncset.s32 @!p0 $0xFFFFF086;
	s6 =	sadd.s32 @!p0 s3, s7;
	s7 =	simm.s32 @!p0 $0x108  }
0x21: {  	s3 =	sadd.s32 s3, s9;
	s6 =	sadd.s32 @!p0 $0x88, s6;
	s7 =	simm.s32 @p2 $0x1082  }
0x22: {  	[simem:s7], [sflag:s8] =	dma.local @!p0 [hbm:s6], $0xF7A  }
0x23: {  	s9 =	sor.u32 $0xD0000000, s2;
	s6 =	simm.s32 $0x108;
	_ =	swait.ge @!p0 [sflag:s8], $0x0  }
0x24: {  	s3 =	sadd.s32 $0x88, s3;
	s6 =	simm.s32 @!p1 $0x1082;
	[sflag:s4] =	ssyncset.s32 $0xFFFFF086  }
0x25: {  	[simem:s6], [sflag:s4] =	dma.local [hbm:s3], $0xF7A  }
0x26: {  	[smem:$0x3F9A] =	sst s1;
	(tag) =	ssettag s2;
	_ =	strace s9  }
0x27: {  	s1 =	sld [smem:$0x3FAA]  }
0x28: {  	s2 =	sld [smem:$0x3FAB]  }
0x29: {  	s4 =	sld [smem:$0x3FAD]  }
0x2a: {  	p0 =	seq.s32 s5, $0x0;
	s5 =	sld [smem:$0x3FAE]  }
0x2b: {  	s6 =	sld [smem:$0x3FAF]  }
0x2c: {  	s7 =	sld [smem:$0x3FB0]  }
0x2d: {  	s3 =	simm.s32 $0x108;
	s8 =	sld [smem:$0x3FB1]  }
0x2e: {  	s3 =	simm.s32 @!p0 $0x1082;
	s9 =	sld [smem:$0x3FB2]  }
0x2f: {  	lr =	sadd.s32 s0, s3;
	s0 =	sld [smem:$0x3FA9]  }
0x30: {  	s3 =	sld [smem:$0x3FAC]  }
0x31: {  	[smem:$0x3FB5] =	sst s10  }
0x32: {  	s10 =	sld [smem:$0x3FB3];
	_ =	sdelay $0x3  }
0x33: {  	p0 =	seq.s32 s10, $0x1;
	s10 =	sld [smem:$0x3FB5];
	_ =	sdelay $0x3  }
0x34: {  	[smem:$0x3FB5] =	sst s10  }
0x35: {  	s10 =	sld [smem:$0x3FB4];
	_ =	sdelay $0x3  }
0x36: {  	p1 =	seq.s32 s10, $0x1;
	s10 =	sld [smem:$0x3FB5];
	_ =	sdelay $0x3  }
0x37: {  	[smem:$0x3FB5] =	sst s10  }
0x38: {  	s10 =	sld [smem:$0x3FB6]  }
0x39: {  	_ = 	snop;
	(pc) =	sbr.ind lr, $3  }
0x3a: {  	_ = 	snop  }
0x3b: {  	_ = 	snop  }
0x3c: {  	p2 =	seq.s32 s10, $0x1;
	s10 =	sld [smem:$0x3FB5]  }
0x3d: {  	_ =	shalt  }
0x3e: {  	_ =	shalt  }
0x3f: {  	_ =	shalt  }
0x40: {  	_ =	shalt  }
0x41: {  	_ =	shalt  }
0x42: {  	_ =	shalt  }
0x43: {  	_ =	shalt  }
0x44: {  	_ =	shalt  }
0x45: {  	_ =	shalt  }
0x46: {  	_ =	shalt  }
0x47: {  	_ =	shalt  }
0x48: {  	_ =	shalt  }
0x49: {  	_ =	shalt  }
0x4a: {  	_ =	shalt  }
0x4b: {  	_ =	shalt  }
0x4c: {  	_ =	shalt  }
0x4d: {  	_ =	shalt  }
0x4e: {  	_ =	shalt  }
0x4f: {  	_ =	shalt  }
0x50: {  	_ =	shalt  }
0x51: {  	_ =	shalt  }
0x52: {  	_ =	shalt  }
0x53: {  	_ =	shalt  }
0x54: {  	_ =	shalt  }
0x55: {  	_ =	shalt  }
0x56: {  	_ =	shalt  }
0x57: {  	_ =	shalt  }
0x58: {  	_ =	shalt  }
0x59: {  	_ =	shalt  }
0x5a: {  	_ =	shalt  }
0x5b: {  	_ =	shalt  }
0x5c: {  	_ =	shalt  }
0x5d: {  	_ =	shalt  }
0x5e: {  	_ =	shalt  }
0x5f: {  	_ =	shalt  }
0x60: {  	_ =	shalt  }
0x61: {  	_ =	shalt  }
0x62: {  	_ =	shalt  }
0x63: {  	_ =	shalt  }
0x64: {  	_ =	shalt  }
0x65: {  	_ =	shalt  }
0x66: {  	_ =	shalt  }
0x67: {  	_ =	shalt  }
0x68: {  	_ =	shalt  }
0x69: {  	_ =	shalt  }
0x6a: {  	_ =	shalt  }
0x6b: {  	_ =	shalt  }
0x6c: {  	_ =	shalt  }
0x6d: {  	_ =	shalt  }
0x6e: {  	_ =	shalt  }
0x6f: {  	_ =	shalt  }
0x70: {  	_ =	shalt  }
0x71: {  	_ =	shalt  }
0x72: {  	_ =	shalt  }
0x73: {  	_ =	shalt  }
0x74: {  	_ =	shalt  }
0x75: {  	_ =	shalt  }
0x76: {  	_ =	shalt  }
0x77: {  	_ =	shalt  }
0x78: {  	_ =	shalt  }
0x79: {  	_ =	shalt  }
0x7a: {  	_ =	shalt  }
0x7b: {  	_ =	shalt  }
0x7c: {  	_ =	shalt  }
0x7d: {  	_ =	shalt  }
0x7e: {  	_ =	shalt  }
0x7f: {  	_ =	shalt  }
0x80: {  	_ =	shalt  }
0x81: {  	_ =	shalt  }
0x82: {  	_ =	shalt  }
0x83: {  	_ =	shalt  }
0x84: {  	_ =	shalt  }
0x85: {  	_ =	shalt  }
0x86: {  	_ =	shalt  }
0x87: {  	_ =	shalt  }
.Lfunc_end0:
.L_simem_size_0:
called_computation_lowered:
.L_overlay_start_0:
0x88: {  	s2 =	sld [smem:$0x3FD9]  }
0x89: {  	s3 =	sld [smem:$0x3FFE];
	_ =	sdelay $0x1  }
0x8a: {  	s1 =	srdreg.scid  }
0x8b: {  	s0 =	sand.u32 $0x1, s1  }
0x8c: {  	s17 =	sshll.u32 s0, $0xA;
	s2 =	sadd.s32 s3, s2  }
0x8d: {  	s2 =	sadd.s32 s2, s17  }
0x8e: {  	[smem:$0x3FC1] =	sst s2  }
0x8f: {  	_ = 	snop  }
0x90: {  	s2 =	sld [smem:$0x3FD0];
	(tm) =	ssettm $0x1  }
0x91: {  	s18 =	sld [smem:$0x3FFB];
	_ =	sdelay $0x3  }
0x92: {  	_ =	strace s18  }
0x93: {  	s3 =	sld [smem:$0x3FFC];
	_ =	sdelay $0x3  }
0x94: {  	_ =	strace s3  }
0x95: {  	s3 =	sld [smem:$0x3FFD];
	_ =	sdelay $0x3  }
0x96: {  	_ =	strace s3  }
0x97: {  	_ =	strace $0x8FFFFFFF  }
0x98: {  	s19 =	sld [smem:$0x3FDB];
	_ =	sdelay $0x1  }
0x99: {  	s4 =	simm.s32 $_scs_section_size  }
0x9a: {  	s5 =	simm.s32 $_size__tile_overlayer_lowered;
	s6 =	simm.s32 $_tile_overlayer_lowered  }
0x9b: {  	s22 =	simm.s32 $0x1BFF;
	s21 =	sshll.u32 s6, $0x1;
	s3 =	sadd.s32 s4, s19  }
0x9c: {  	s7 =	simm.s32 $0x0;
	s20 =	sshll.u32 s5, $0x1;
	s5 =	sadd.s32 s21, s3  }
0x9d: {  	[timem:s7], [sflag:s22] =	dma.local [hbm:s5], s20  }
0x9e: {  	_ =	swait.ge [sflag:s22], s20  }
0x9f: {  	s4 =	ssub.s32 $0x0, s20;
	[sflag:s22] =	ssyncset.done $0x0  }
0xa0: {  	[sflag:s22] =	ssyncadd.s32 s4;
	_ =	sdelay $0x1  }
0xa1: {  	s23 =	simm.s32 $0x1B8B  }
0xa2: {  	_ =	swait.ge [sflag:s23], $0x1  }
0xa3: {  	[sflag:s23] =	ssyncset.done $0x0  }
0xa4: {  	s25 =	simm.s32 $0x1B8E;
	s24 =	sld [smem:$0x3FFE];
	[sflag:s23] =	ssyncadd.s32 $0xFFFFFFFF  }
0xa5: {  	s26 =	simm.s32 $execute0_lowered;
	[smem:$0x3FD2] =	sst s25  }
0xa6: {  	s5 =	sshll.u32 s26, $0x1;
	_ =	strace $0x80000046;
	[dreg:$0x1] =	wrdreg $0xFFFFFFFF  }
0xa7: {  	s28 =	simm.s32 $_size_execute0_lowered;
	s3 =	sadd.s32 s3, s5;
	[dreg:$0x0] =	wrdreg $0x0  }
0xa8: {  	s5 =	sshll.u32 s28, $0x1;
	[dreg:$0x2] =	wrdreg s3  }
0xa9: {  	[dreg:$0x3] =	wrdreg s5  }
0xaa: {  	[dreg:$0x4] =	wrdreg $0xC0  }
0xab: {  	_ =	task [dreg:s7], $0x5FFFF  }
0xac: {  	[dreg:$0x1] =	wrdreg $0xFFFFFFFF  }
0xad: {  	[dreg:$0x0] =	wrdreg $0x60  }
0xae: {  	[dreg:$0x2] =	wrdreg s2  }
0xaf: {  	[dreg:$0x3] =	wrdreg s24  }
0xb0: {  	[dreg:$0x4] =	wrdreg $0x9  }
0xb1: {  	_ =	task.clear_ibuf [dreg:s7], $0x5FFFF;
	_ =	strace $0x90000046  }
0xb2: {  	s29 =	simm.s32 $0x9;
	_ =	strace $0x80000048  }
0xb3: {  	_ =	swait.ge [sflag:s29], $0x1  }
0xb4: {  	[sflag:s29] =	ssyncadd.s32 $0xFFFFFFFF  }
0xb5: {  	_ =	strace $0x90000048  }
0xb6: {  	_ =	sfence  }
0xb7: {  	s30 =	sld [smem:$0x0];
	_ =	sdelay $0x2  }
0xb8: {  	s31 =	sshll.u32 s1, $0xD;
	s1 =	sshrl.u32 s1, $0x2  }
0xb9: {  	s3 =	sand.u32 $0x4000, s31;
	s1 =	sadd.s32 s1, s30  }
0xba: {  	s0 =	sor.u32 s3, s0;
	s1 =	sshll.u32 s1, $0x11  }
0xbb: {  	s0 =	sor.u32 s1, s0  }
0xbc: {  	s0 =	sadd.s32 $0x8F2B, s0  }
0xbd: {  	[sflag:s0] =	ssyncadd.remote.s32 $0x1  }
0xbe: {  	_ =	sfence.sel $0xFFFF  }
0xbf: {  	[dreg:$0x0] =	wrdreg $0xFFFFFFFF;
	(pc) =	sbr.abs _section_cstart, $3  }
0xc0: {  	[dreg:$0x1] =	wrdreg $0xFFFFFFFF  }
0xc1: {  	_ =	task.clear_ibuf [dreg:s7], $0x2FFFF;
	_ =	strace $0x9FFFFFFF  }
0xc2: {  	(tm) =	ssettm $0x7FFFFFFF  }
0xc3: {  	_ =	shalt  }
tec
execute0_lowered:
.L_overlay_start_1:
0x0: {  	(tag) =	ssettag $0x1  }
0x1: {  	s1 =	srdreg.scid  }
0x2: {  	s0 =	stileid.u32;
	s8 =	sand.u32 $0x1, s1  }
0x3: {  	s4 =	rddreg [dreg:$0x0];
	s31 =	sshll.u32 s0, $0x7;
	s2 =	sshll.u32 s8, $0x6  }
0x4: {  	s11 =	rddreg [dreg:$0x1];
	s6 =	sor.u32 s2, s31  }
0x5: {  	s1 =	rddreg [dreg:$0x2];
	s2 =	simm.s32 $0x0;
	s5 =	sshrl.u32 s6, $0x3  }
0x6: {  	[smem:$0x7FF] =	sst s2;
	s3 =	sadd.s32 s5, s11  }
0x7: {  	s7 =	sor.u32 $0x20, s6;
	_ =	strace $0x80000047;
	s3 =	sadd.s32 $0x1600, s3  }
0x8: {  	[tilespmem:s2], [sflag:$0x1] =	stream.linear.gather [hbm4b:s3+s2], $0x40, $0x38;
	[tilespmem:$0x180] =	vst v63  }
0x9: {  	v3 =	vlaneseq.u32;
	s9 =	sor.u32 $0x30, s6;
	s4 =	sadd.s32 s4, s5;
	s5 =	simm.s32 $0x100  }
0xa: {  	v0 =	vor.u32 s9, v3;
	[tilespmem:s5], [sflag:$0x2] =	stream.linear.gather [hbm4b:s4+s2], $0x40, $0x38;
	[tilespmem:$0x180] =	vst v63  }
0xb: {  	v1 =	vor.u32 s7, v3;
	[tilespmem:$0xB0] =	vst v0  }
0xc: {  	v2 =	vor.u32 s6, v3;
	s6 =	sor.u32 $0x10, s6;
	[tilespmem:$0xA0] =	vst v1  }
0xd: {  	v3 =	vor.u32 s6, v3;
	[tilespmem:$0x80] =	vst v2  }
0xe: {  	s10 =	simm.s32 $0x2;
	s12 =	ssub.s32 $0x2, s8;
	s6 =	simm.s32 $0x1;
	[tilespmem:$0x90] =	vst v3  }
0xf: {  	s8 =	simm.s32 $0x40;
	s13 =	sshrl.u32 s12, $0x1;
	_ =	swait.ge [sflag:s6], $0x40  }
0x10: {  	s12 =	ssub.s32 s12, s13;
	s7 =	sadd.s32 $0x1A00, s11;
	[sflag:s6] =	ssyncset.done $0x0  }
0x11: {  	s9 =	simm.s32 $0x80;
	s14 =	smax.u32 s12, $0x1;
	[sflag:s6] =	ssyncadd.s32 $0xFFFFFFC0  }
0x12: {  	[hbm4b:s7+s8] =	stream.indirect.scatter [tilespmem:s9], [sflag:$0x3], $0x1, s2, s8, $0xb8;
	[tilespmem:$0x180] =	vst v63  }
0x13: {  	p0 =	sne.s32 s14, $0x1;
	_ =	swait.ge [sflag:s10], $0x40  }
.Ltmp0:
0x14: {  	[sflag:s10] =	ssyncset.done $0x0;
	(pc) =	sbr.rel @!p0 .LBB2_2-.Ltmp0, $4  }
0x15: {  	s11 =	sadd.s32 $0x1800, s11;
	s12 =	simm.s32 $0x3;
	[sflag:s10] =	ssyncadd.s32 $0xFFFFFFC0  }
0x16: {  	[hbm4b:s11+s8] =	stream.indirect.scatter [tilespmem:s5], [sflag:$0x4], $0x1, s2, s8, $0xb8;
	[tilespmem:$0x180] =	vst v63  }
0x17: {  	_ =	swait.ge [sflag:s12], $0x40  }
0x18: {  	s13 =	simm.s32 $0x4;
	s14 =	sadd.s32 $0xFFFFFFFF, s14;
	[sflag:s12] =	ssyncset.done $0x0  }
.LBB2_1:
0x19: {  	p0 =	sne.s32 s14, $0x1;
	s14 =	sadd.s32 $0xFFFFFFFF, s14;
	[sflag:s12] =	ssyncadd.s32 $0xFFFFFFC0  }
0x1a: {  	_ =	swait.ge [sflag:s13], $0x40  }
0x1b: {  	[sflag:s13] =	ssyncset.done $0x0  }
0x1c: {  	[sflag:s13] =	ssyncadd.s32 $0xFFFFFFC0  }
0x1d: {  	[tilespmem:s2], [sflag:$0x1] =	stream.linear.gather [hbm4b:s3+s2], $0x40, $0x38;
	[tilespmem:$0x180] =	vst v63  }
0x1e: {  	_ = 	snop  }
0x1f: {  	[tilespmem:s5], [sflag:$0x2] =	stream.linear.gather [hbm4b:s4+s2], $0x40, $0x38;
	[tilespmem:$0x180] =	vst v63  }
0x20: {  	[tilespmem:$0xB0] =	vst v0  }
0x21: {  	[tilespmem:$0xA0] =	vst v1  }
0x22: {  	[tilespmem:$0x80] =	vst v2  }
0x23: {  	[tilespmem:$0x90] =	vst v3  }
0x24: {  	_ =	swait.ge [sflag:s6], $0x40  }
0x25: {  	[sflag:s6] =	ssyncset.done $0x0  }
0x26: {  	[sflag:s6] =	ssyncadd.s32 $0xFFFFFFC0  }
0x27: {  	[hbm4b:s7+s8] =	stream.indirect.scatter [tilespmem:s9], [sflag:$0x3], $0x1, s2, s8, $0xb8;
	[tilespmem:$0x180] =	vst v63  }
0x28: {  	_ =	swait.ge [sflag:s10], $0x40  }
.Ltmp1:
0x29: {  	[sflag:s10] =	ssyncset.done $0x0;
	(pc) =	sbr.rel @p0 .LBB2_1-.Ltmp1, $4  }
0x2a: {  	[sflag:s10] =	ssyncadd.s32 $0xFFFFFFC0  }
0x2b: {  	[hbm4b:s11+s8] =	stream.indirect.scatter [tilespmem:s5], [sflag:$0x4], $0x1, s2, s8, $0xb8;
	[tilespmem:$0x180] =	vst v63  }
0x2c: {  	_ =	swait.ge [sflag:s12], $0x40  }
0x2d: {  	[sflag:s12] =	ssyncset.done $0x0  }
.LBB2_2:
0x2e: {  	[sflag:s12] =	ssyncadd.s32 $0xFFFFFFC0  }
0x2f: {  	_ =	swait.ge [sflag:s13], $0x40  }
0x30: {  	[sflag:s13] =	ssyncset.done $0x0  }
0x31: {  	[sflag:s13] =	ssyncadd.s32 $0xFFFFFFC0  }
0x32: {  	_ =	sfence.sel $0x180000  }
0x33: {  	[bflag:$0x0] =	sbarrier.arrive $0xFFFF  }
0x34: {  	p0 =	sne.s32 s0, $0x0;
	_ =	strace $0x90000047  }
0x35: {  	s0 =	sadd.s32 @!p0 $0x100000, s1;
	[bflag:$0x2] =	sbarrier.arrive $0xFFFF  }
0x36: {  	[sflag:s0] =	ssyncadd.tile.s32 @!p0 $0x1;
	_ =	shalt  }
.Lfunc_end2:
_tile_overlayer_lowered:
.L_overlay_start_2:
0x37: {  	(tag) =	ssettag $0x2  }
0x38: {  	s0 =	rddreg [dreg:$0x0];
	s2 =	stileid.u32  }
0x39: {  	s1 =	rddreg [dreg:$0x1];
	p0 =	sne.s32 s2, $0x0  }
0x3a: {  	s3 =	rddreg [dreg:$0x2];
	[bflag:$0x3] =	sbarrier.arrive $0xFFFF;
	s2 =	simm.s32 @!p0 $0x1C05  }
0x3b: {  	[timem:s3], [sflag:s2] =	dma.local @!p0 [hbm:s0], s1  }
0x3c: {  	s0 =	simm.s32 @!p0 $0x5  }
0x3d: {  	_ =	swait.ge @!p0 [sflag:s0], s1  }
0x3e: {  	s1 =	ssub.s32 @!p0 $0x0, s1;
	[sflag:s0] =	ssyncset.done @!p0 $0x0  }
0x3f: {  	[sflag:s0] =	ssyncadd.s32 @!p0 s1  }
0x40: {  	[bflag:$0x3] =	sbarrier.arrive $0xFFFF  }
0x41: {  	_ =	shalt  }

</sc_bundles>
